<compile_context>
chip_gen: v7x
topology: tpu7x:2x2x1
jax: 0.10.2.dev20260603
libtpu: 0.0.44.dev20260713+nightly
codegen_flags: <defaults>
</compile_context>

<pallas_src>
import functools

import jax
import jax.numpy as jnp
from jax import lax
from jax.experimental import pallas as pl
from jax.experimental.pallas import tpu as pltpu
from jax.experimental.pallas import tpu_sc as plsc

_B = 16
_S = 512 * 512
_N = _B * _S
_NC = 2
_NS = 16
_NW = _NC * _NS
_L = 16
_ROWS = 16

_BSC = 7
_RPW = _BSC * 512 // _NW
_NCH = _RPW // _ROWS



def _sc_partials(inp4d, tgt3d):
    mesh = plsc.VectorSubcoreMesh(core_axis_name="c", subcore_axis_name="s")

    @functools.partial(
        pl.kernel,
        mesh=mesh,
        out_type=jax.ShapeDtypeStruct((_NW, 4, _L), jnp.float32),
        scratch_types=[
            pltpu.VMEM((2, 2, _ROWS, 512), jnp.float32),
            pltpu.VMEM((2, _ROWS, 512), jnp.int32),
            pltpu.VMEM((4, _L), jnp.float32),
            pltpu.SemaphoreType.DMA,
            pltpu.SemaphoreType.DMA,
            pltpu.SemaphoreType.DMA,
            pltpu.SemaphoreType.DMA,
        ],
    )
    def k(inp_hbm, tgt_hbm, out_hbm, x_v, t_v, o_v,
          s00, s01, s10, s11):
        sems = ((s00, s01), (s10, s11))
        wid = lax.axis_index("s") * _NC + lax.axis_index("c")
        g0 = wid * _RPW

        def issue(ci, buf):
            g = g0 + ci * _ROWS
            b = g // 512
            r0 = g % 512
            pltpu.async_copy(inp_hbm.at[b, :, pl.ds(r0, _ROWS), :],
                             x_v.at[buf], sems[buf][0])
            pltpu.async_copy(tgt_hbm.at[b, pl.ds(r0, _ROWS), :],
                             t_v.at[buf], sems[buf][1])

        def wait_buf(buf):
            pltpu.make_async_copy(inp_hbm.at[0, :, pl.ds(0, _ROWS), :],
                                  x_v.at[buf], sems[buf][0]).wait()
            pltpu.make_async_copy(tgt_hbm.at[0, pl.ds(0, _ROWS), :],
                                  t_v.at[buf], sems[buf][1]).wait()

        def compute(buf, acc):
            def body(i, a):
                ac, atc, at = a
                r = i // 4
                q = (i % 4) * 128
                for j in range(8):
                    off = q + j * _L
                    x0 = x_v[buf, 0, r, pl.ds(off, _L)]
                    x1 = x_v[buf, 1, r, pl.ds(off, _L)]
                    tt = t_v[buf, r, pl.ds(off, _L)]
                    e = jnp.exp(x1 - x0)
                    cc = 1.0 / (1.0 + e) - 0.5
                    tf = tt.astype(jnp.float32)
                    ac = ac + cc
                    atc = atc + tf * cc
                    at = at + tf
                return (ac, atc, at)
            return lax.fori_loop(0, _ROWS * 4, body, acc)

        issue(0, 0)
        zeros = jnp.zeros((_L,), jnp.float32)
        acc = (zeros, zeros, zeros)

        def outer(g, acc):
            wait_buf(0)
            issue(2 * g + 1, 1)
            acc = compute(0, acc)
            wait_buf(1)

            @pl.when(2 * g + 2 < _NCH)
            def _():
                issue(2 * g + 2, 0)

            acc = compute(1, acc)
            return acc

        acc = lax.fori_loop(0, _NCH // 2, outer, acc)
        if _NCH % 2:
            wait_buf(0)
            acc = compute(0, acc)
        acc_c, acc_tc, acc_t = acc
        o_v[0, :] = acc_c
        o_v[1, :] = acc_tc
        o_v[2, :] = acc_t
        o_v[3, :] = jnp.zeros((_L,), jnp.float32)
        pltpu.sync_copy(o_v, out_hbm.at[wid])

    return k(inp4d, tgt3d)


def _tc_body(x_ref, t_ref, o_ref):
    k = pl.program_id(0)
    x0 = x_ref[0, 0, :, :]
    x1 = x_ref[0, 1, :, :]
    a = 1.0 / (1.0 + jnp.exp(x1 - x0))
    c = a - 0.5
    tf = t_ref[0, :, :].astype(jnp.float32)
    pc = jnp.sum(c.reshape(256, 8, 128), axis=0)
    ptc = jnp.sum((tf * c).reshape(256, 8, 128), axis=0)
    pt = jnp.sum(tf.reshape(256, 8, 128), axis=0)
    part = jnp.stack([pc, ptc, pt])

    @pl.when(k == 0)
    def _():
        o_ref[...] = jnp.zeros_like(o_ref)

    o_ref[...] += part


def _tc_partials(inp4d, tgt3d, b0, nb):
    return pl.pallas_call(
        _tc_body,
        grid=(nb,),
        in_specs=[
            pl.BlockSpec((1, 2, 512, 512), lambda k: (k + b0, 0, 0, 0)),
            pl.BlockSpec((1, 512, 512), lambda k: (k + b0, 0, 0)),
        ],
        out_specs=pl.BlockSpec((3, 8, 128), lambda k: (0, 0, 0)),
        out_shape=jax.ShapeDtypeStruct((3, 8, 128), jnp.float32),
    )(inp4d, tgt3d)


def kernel(inputs, target):
    p_tc = _tc_partials(inputs, target, _BSC, _B - _BSC)
    p_sc = _sc_partials(inputs, target)
    sum_c = jnp.sum(p_sc[:, 0, :]) + jnp.sum(p_tc[0])
    sum_tc = jnp.sum(p_sc[:, 1, :]) + jnp.sum(p_tc[1])
    sum_t = jnp.sum(p_sc[:, 2, :]) + jnp.sum(p_tc[2])
    n1 = sum_t
    n0 = jnp.float32(_N) - sum_t
    e1 = sum_tc
    e0 = sum_c - sum_tc
    det = e0 * n1 - e1 * n0
    return -jnp.log(jnp.abs(det) + 0.001)

# --- scband reference (transcript-rebuilt; emitter-appended) ---
"""Pipeline reference for scband-dmi-loss-10419590660137 (READ-ONLY COPY).

The authoritative reference and input builder live on the scoring server;
editing this copy changes nothing except your own understanding.
"""

import jax, jax.numpy as jnp
import numpy as np


def setup_inputs(seed: int = 0) -> dict:
    key = jax.random.key(seed)
    k1, k2 = jax.random.split(key)
    inputs = jax.random.normal(k1, (16, 2, 512, 512), dtype=jnp.float32)
    target = jax.random.randint(k2, (16, 512, 512), 0, 2).astype(jnp.int32)
    return {"inputs": inputs, "target": target}


def reference(inputs, target):
    # softmax over the class dim (dim=1)
    output = jax.nn.softmax(inputs, axis=1)
    output_a = output[:, 0, :, :]
    output_b = output[:, 1, :, :]
    a_flat = jnp.reshape(output_a, (-1,))
    b_flat = jnp.reshape(output_b, (-1,))
    outputs = jnp.stack((a_flat, b_flat), axis=1)  # [N, 2]
    t = jnp.reshape(target, (-1,))  # [N]
    n = t.shape[0]
    # one-hot via scatter-overwrite, mirroring torch scatter_
    y_onehot = jnp.zeros((n, 2), dtype=jnp.float32).at[jnp.arange(n), t].set(1.0)
    y_onehot_t = y_onehot.T  # [2, N]
    mat = y_onehot_t @ outputs  # [2, 2]
    result = -1.0 * jnp.log(jnp.abs(jnp.linalg.det(mat.astype(jnp.float32))) + 0.001)
    return result

if __name__ == "__main__":
    import jax
    _d = setup_inputs()
    print(jax.jit(kernel)(*tuple(_d.values())))

</pallas_src>

<mosaic_0001>
#map = affine_map<(d0, d1) -> (0, 0, 0, 0)>
#map1 = affine_map<(d0, d1) -> (0, 0, 0)>
module attributes {stable_mosaic.version = 14 : i64} {
  func.func @k(%arg0: i32, %arg1: i32, %arg2: memref<16x2x512x512xf32, #tpu.memory_space<hbm>>, %arg3: memref<16x512x512xi32, #tpu.memory_space<hbm>>, %arg4: memref<32x4x16xf32, #tpu.memory_space<hbm>>, %arg5: memref<2x2x16x512xf32, #tpu.memory_space<vmem>>, %arg6: memref<2x16x512xi32, #tpu.memory_space<vmem>>, %arg7: memref<4x16xf32, #tpu.memory_space<vmem>>, %arg8: memref<!tpu.dma_semaphore, #tpu.memory_space<semaphore_mem>>, %arg9: memref<!tpu.dma_semaphore, #tpu.memory_space<semaphore_mem>>, %arg10: memref<!tpu.dma_semaphore, #tpu.memory_space<semaphore_mem>>, %arg11: memref<!tpu.dma_semaphore, #tpu.memory_space<semaphore_mem>>) attributes {dimension_semantics = [#tpu.dimension_semantics<core_parallel>, #tpu.dimension_semantics<subcore_parallel>], iteration_bounds = array<i64: 2, 16>, scalar_prefetch = 0 : i64, scratch_operands = 7 : i64, tpu.core_type = #tpu.core_type<sc_vector_subcore>, window_params = [{transform_indices = #map}, {transform_indices = #map1}, {transform_indices = #map1}]} {
    %mul3A = arith.constant 2 : i32
    %mul3A_0 = arith.muli %arg1, %mul3A : i32
    %add3A = arith.addi %mul3A_0, %arg0 : i32
    %mul3A_1 = arith.constant 112 : i32
    %mul3A_2 = arith.muli %add3A, %mul3A_1 : i32
    %add3A_3 = arith.constant 0 : i32
    %add3A_4 = arith.addi %mul3A_2, %add3A_3 : i32
    %jit3A = arith.constant 512 : i32
    %div3A = arith.divsi %add3A_4, %jit3A : i32
    %sign3A = arith.constant 0 : i32
    %sign3A_5 = arith.cmpi sgt, %add3A_4, %sign3A : i32
    %sign3A_6 = arith.extui %sign3A_5 : i1 to i32
    %sign3A_7 = arith.constant 0 : i32
    %sign3A_8 = arith.cmpi slt, %add3A_4, %sign3A_7 : i32
    %sign3A_9 = arith.extui %sign3A_8 : i1 to i32
    %sign3A_10 = arith.subi %sign3A_6, %sign3A_9 : i32
    %sign3A_11 = arith.constant 0 : i32
    %sign3A_12 = arith.cmpi sgt, %jit3A, %sign3A_11 : i32
    %sign3A_13 = arith.extui %sign3A_12 : i1 to i32
    %sign3A_14 = arith.constant 0 : i32
    %sign3A_15 = arith.cmpi slt, %jit3A, %sign3A_14 : i32
    %sign3A_16 = arith.extui %sign3A_15 : i1 to i32
    %sign3A_17 = arith.subi %sign3A_13, %sign3A_16 : i32
    %ne3A = arith.cmpi ne, %sign3A_10, %sign3A_17 : i32
    %rem3A = arith.remsi %add3A_4, %jit3A : i32
    %ne3A_18 = arith.constant 0 : i32
    %ne3A_19 = arith.cmpi ne, %rem3A, %ne3A_18 : i32
    %and3A = arith.andi %ne3A, %ne3A_19 : i1
    %sub3A = arith.constant 1 : i32
    %sub3A_20 = arith.subi %div3A, %sub3A : i32
    %select_n3A = arith.select %and3A, %sub3A_20, %div3A : i32
    %jit3A_21 = arith.constant 512 : i32
    %eq3A = arith.constant 0 : i32
    %eq3A_22 = arith.cmpi eq, %jit3A_21, %eq3A : i32
    %jit3A_23 = arith.constant 1 : i32
    %select_n3A_24 = arith.select %eq3A_22, %jit3A_23, %jit3A_21 : i32
    %rem3A_25 = arith.remsi %add3A_4, %select_n3A_24 : i32
    %ne3A_26 = arith.constant 0 : i32
    %ne3A_27 = arith.cmpi ne, %rem3A_25, %ne3A_26 : i32
    %lt3A = arith.constant 0 : i32
    %lt3A_28 = arith.cmpi slt, %rem3A_25, %lt3A : i32
    %lt3A_29 = arith.constant 0 : i32
    %lt3A_30 = arith.cmpi slt, %select_n3A_24, %lt3A_29 : i32
    %ne3A_31 = arith.xori %lt3A_28, %lt3A_30 : i1
    %and3A_32 = arith.andi %ne3A_31, %ne3A_27 : i1
    %add3A_33 = arith.addi %rem3A_25, %select_n3A_24 : i32
    %select_n3A_34 = arith.select %and3A_32, %add3A_33, %rem3A_25 : i32
    %dma_start3A = arith.constant 0 : i32
    %dma_start3A_35 = arith.constant 0 : i32
    %dma_start3A_36 = arith.constant 0 : i32
    %dma_start3A_37 = arith.constant 0 : i32
    %dma_start3A_38 = tpu.memref_slice %arg5[%dma_start3A, %dma_start3A_35, %dma_start3A_36, %dma_start3A_37] : memref<2x2x16x512xf32, #tpu.memory_space<vmem>> -> memref<1x2x16x512xf32, #tpu.memory_space<vmem>>
    %dma_start3A_39 = tpu.memref_squeeze %dma_start3A_38 : memref<1x2x16x512xf32, #tpu.memory_space<vmem>> -> memref<2x16x512xf32, #tpu.memory_space<vmem>>
    %dma_start3A_40 = arith.constant 0 : i32
    %dma_start3A_41 = arith.constant 0 : i32
    %dma_start3A_42 = tpu.memref_slice %arg2[%select_n3A, %dma_start3A_40, %select_n3A_34, %dma_start3A_41] : memref<16x2x512x512xf32, #tpu.memory_space<hbm>> -> memref<1x2x16x512xf32, #tpu.memory_space<hbm>>
    %dma_start3A_43 = tpu.memref_squeeze %dma_start3A_42 : memref<1x2x16x512xf32, #tpu.memory_space<hbm>> -> memref<2x16x512xf32, #tpu.memory_space<hbm>>
    %dma_start3A_44 = arith.constant 0 : i32
    %dma_start3A_45 = arith.constant 0 : i32
    %dma_start3A_46 = arith.constant 0 : i32
    %dma_start3A_47 = tpu.memref_slice %arg5[%dma_start3A, %dma_start3A_44, %dma_start3A_45, %dma_start3A_46] : memref<2x2x16x512xf32, #tpu.memory_space<vmem>> -> memref<1x2x16x512xf32, #tpu.memory_space<vmem>>
    %dma_start3A_48 = tpu.memref_squeeze %dma_start3A_47 : memref<1x2x16x512xf32, #tpu.memory_space<vmem>> -> memref<2x16x512xf32, #tpu.memory_space<vmem>>
    %dma_start3A_49 = arith.constant 0 : i32
    %dma_start3A_50 = arith.constant 0 : i32
    %dma_start3A_51 = tpu.memref_slice %arg2[%select_n3A, %dma_start3A_49, %select_n3A_34, %dma_start3A_50] : memref<16x2x512x512xf32, #tpu.memory_space<hbm>> -> memref<1x2x16x512xf32, #tpu.memory_space<hbm>>
    %dma_start3A_52 = tpu.memref_squeeze %dma_start3A_51 : memref<1x2x16x512xf32, #tpu.memory_space<hbm>> -> memref<2x16x512xf32, #tpu.memory_space<hbm>>
    tpu.enqueue_dma source(%dma_start3A_52 : memref<2x16x512xf32, #tpu.memory_space<hbm>>) target(%dma_start3A_48 : memref<2x16x512xf32, #tpu.memory_space<vmem>>) target_semaphore(%arg8 : memref<!tpu.dma_semaphore, #tpu.memory_space<semaphore_mem>>)
    %dma_start3A_53 = arith.constant 0 : i32
    %dma_start3A_54 = arith.constant 0 : i32
    %dma_start3A_55 = arith.constant 0 : i32
    %dma_start3A_56 = tpu.memref_slice %arg6[%dma_start3A_53, %dma_start3A_54, %dma_start3A_55] : memref<2x16x512xi32, #tpu.memory_space<vmem>> -> memref<1x16x512xi32, #tpu.memory_space<vmem>>
    %dma_start3A_57 = tpu.memref_squeeze %dma_start3A_56 : memref<1x16x512xi32, #tpu.memory_space<vmem>> -> memref<16x512xi32, #tpu.memory_space<vmem>>
    %dma_start3A_58 = arith.constant 0 : i32
    %dma_start3A_59 = tpu.memref_slice %arg3[%select_n3A, %select_n3A_34, %dma_start3A_58] : memref<16x512x512xi32, #tpu.memory_space<hbm>> -> memref<1x16x512xi32, #tpu.memory_space<hbm>>
    %dma_start3A_60 = tpu.memref_squeeze %dma_start3A_59 : memref<1x16x512xi32, #tpu.memory_space<hbm>> -> memref<16x512xi32, #tpu.memory_space<hbm>>
    %dma_start3A_61 = arith.constant 0 : i32
    %dma_start3A_62 = arith.constant 0 : i32
    %dma_start3A_63 = tpu.memref_slice %arg6[%dma_start3A_53, %dma_start3A_61, %dma_start3A_62] : memref<2x16x512xi32, #tpu.memory_space<vmem>> -> memref<1x16x512xi32, #tpu.memory_space<vmem>>
    %dma_start3A_64 = tpu.memref_squeeze %dma_start3A_63 : memref<1x16x512xi32, #tpu.memory_space<vmem>> -> memref<16x512xi32, #tpu.memory_space<vmem>>
    %dma_start3A_65 = arith.constant 0 : i32
    %dma_start3A_66 = tpu.memref_slice %arg3[%select_n3A, %select_n3A_34, %dma_start3A_65] : memref<16x512x512xi32, #tpu.memory_space<hbm>> -> memref<1x16x512xi32, #tpu.memory_space<hbm>>
    %dma_start3A_67 = tpu.memref_squeeze %dma_start3A_66 : memref<1x16x512xi32, #tpu.memory_space<hbm>> -> memref<16x512xi32, #tpu.memory_space<hbm>>
    tpu.enqueue_dma source(%dma_start3A_67 : memref<16x512xi32, #tpu.memory_space<hbm>>) target(%dma_start3A_64 : memref<16x512xi32, #tpu.memory_space<vmem>>) target_semaphore(%arg9 : memref<!tpu.dma_semaphore, #tpu.memory_space<semaphore_mem>>)
    %broadcast_in_dim3A = arith.constant 0.000000e+00 : f32
    %broadcast_in_dim3A_68 = vector.broadcast %broadcast_in_dim3A : f32 to vector<16xf32>
    %scan3A = arith.constant 0 : i32
    %scan3A_69 = arith.constant 3 : i32
    %scan3A_70 = arith.addi %scan3A, %scan3A_69 : i32
    %scan3A_71 = arith.constant 1 : i32
    %scan3A_72:3 = scf.for %scan3A_144 = %scan3A to %scan3A_70 step %scan3A_71 iter_args(%scan3A_145 = %broadcast_in_dim3A_68, %scan3A_146 = %broadcast_in_dim3A_68, %scan3A_147 = %broadcast_in_dim3A_68) -> (vector<16xf32>, vector<16xf32>, vector<16xf32>)  : i32 {
      %dma_wait3A_148 = arith.constant 0 : i32
      %dma_wait3A_149 = arith.constant 0 : i32
      %dma_wait3A_150 = arith.constant 0 : i32
      %dma_wait3A_151 = arith.constant 0 : i32
      %dma_wait3A_152 = arith.constant 0 : i32
      %dma_wait3A_153 = tpu.memref_slice %arg5[%dma_wait3A_149, %dma_wait3A_150, %dma_wait3A_151, %dma_wait3A_152] : memref<2x2x16x512xf32, #tpu.memory_space<vmem>> -> memref<1x2x16x512xf32, #tpu.memory_space<vmem>>
      %dma_wait3A_154 = tpu.memref_squeeze %dma_wait3A_153 : memref<1x2x16x512xf32, #tpu.memory_space<vmem>> -> memref<2x16x512xf32, #tpu.memory_space<vmem>>
      %dma_wait3A_155 = arith.constant 0 : i32
      %dma_wait3A_156 = arith.constant 0 : i32
      %dma_wait3A_157 = arith.constant 0 : i32
      %dma_wait3A_158 = tpu.memref_slice %arg2[%dma_wait3A_148, %dma_wait3A_155, %dma_wait3A_156, %dma_wait3A_157] : memref<16x2x512x512xf32, #tpu.memory_space<hbm>> -> memref<1x2x16x512xf32, #tpu.memory_space<hbm>>
      %dma_wait3A_159 = tpu.memref_squeeze %dma_wait3A_158 : memref<1x2x16x512xf32, #tpu.memory_space<hbm>> -> memref<2x16x512xf32, #tpu.memory_space<hbm>>
      %dma_wait3A_160 = arith.constant 0 : i32
      %dma_wait3A_161 = arith.constant 0 : i32
      %dma_wait3A_162 = arith.constant 0 : i32
      %dma_wait3A_163 = tpu.memref_slice %arg5[%dma_wait3A_149, %dma_wait3A_160, %dma_wait3A_161, %dma_wait3A_162] : memref<2x2x16x512xf32, #tpu.memory_space<vmem>> -> memref<1x2x16x512xf32, #tpu.memory_space<vmem>>
      %dma_wait3A_164 = tpu.memref_squeeze %dma_wait3A_163 : memref<1x2x16x512xf32, #tpu.memory_space<vmem>> -> memref<2x16x512xf32, #tpu.memory_space<vmem>>
      %dma_wait3A_165 = arith.constant 0 : i32
      %dma_wait3A_166 = arith.constant 0 : i32
      %dma_wait3A_167 = arith.constant 0 : i32
      %dma_wait3A_168 = tpu.memref_slice %arg2[%dma_wait3A_148, %dma_wait3A_165, %dma_wait3A_166, %dma_wait3A_167] : memref<16x2x512x512xf32, #tpu.memory_space<hbm>> -> memref<1x2x16x512xf32, #tpu.memory_space<hbm>>
      %dma_wait3A_169 = tpu.memref_squeeze %dma_wait3A_168 : memref<1x2x16x512xf32, #tpu.memory_space<hbm>> -> memref<2x16x512xf32, #tpu.memory_space<hbm>>
      tpu.wait_dma2 semaphore(%arg8 : memref<!tpu.dma_semaphore, #tpu.memory_space<semaphore_mem>>) src(%dma_wait3A_169 : memref<2x16x512xf32, #tpu.memory_space<hbm>>) dst(%dma_wait3A_164 : memref<2x16x512xf32, #tpu.memory_space<vmem>>)
      %dma_wait3A_170 = arith.constant 0 : i32
      %dma_wait3A_171 = arith.constant 0 : i32
      %dma_wait3A_172 = arith.constant 0 : i32
      %dma_wait3A_173 = arith.constant 0 : i32
      %dma_wait3A_174 = tpu.memref_slice %arg6[%dma_wait3A_171, %dma_wait3A_172, %dma_wait3A_173] : memref<2x16x512xi32, #tpu.memory_space<vmem>> -> memref<1x16x512xi32, #tpu.memory_space<vmem>>
      %dma_wait3A_175 = tpu.memref_squeeze %dma_wait3A_174 : memref<1x16x512xi32, #tpu.memory_space<vmem>> -> memref<16x512xi32, #tpu.memory_space<vmem>>
      %dma_wait3A_176 = arith.constant 0 : i32
      %dma_wait3A_177 = arith.constant 0 : i32
      %dma_wait3A_178 = tpu.memref_slice %arg3[%dma_wait3A_170, %dma_wait3A_176, %dma_wait3A_177] : memref<16x512x512xi32, #tpu.memory_space<hbm>> -> memref<1x16x512xi32, #tpu.memory_space<hbm>>
      %dma_wait3A_179 = tpu.memref_squeeze %dma_wait3A_178 : memref<1x16x512xi32, #tpu.memory_space<hbm>> -> memref<16x512xi32, #tpu.memory_space<hbm>>
      %dma_wait3A_180 = arith.constant 0 : i32
      %dma_wait3A_181 = arith.constant 0 : i32
      %dma_wait3A_182 = tpu.memref_slice %arg6[%dma_wait3A_171, %dma_wait3A_180, %dma_wait3A_181] : memref<2x16x512xi32, #tpu.memory_space<vmem>> -> memref<1x16x512xi32, #tpu.memory_space<vmem>>
      %dma_wait3A_183 = tpu.memref_squeeze %dma_wait3A_182 : memref<1x16x512xi32, #tpu.memory_space<vmem>> -> memref<16x512xi32, #tpu.memory_space<vmem>>
      %dma_wait3A_184 = arith.constant 0 : i32
      %dma_wait3A_185 = arith.constant 0 : i32
      %dma_wait3A_186 = tpu.memref_slice %arg3[%dma_wait3A_170, %dma_wait3A_184, %dma_wait3A_185] : memref<16x512x512xi32, #tpu.memory_space<hbm>> -> memref<1x16x512xi32, #tpu.memory_space<hbm>>
      %dma_wait3A_187 = tpu.memref_squeeze %dma_wait3A_186 : memref<1x16x512xi32, #tpu.memory_space<hbm>> -> memref<16x512xi32, #tpu.memory_space<hbm>>
      tpu.wait_dma2 semaphore(%arg9 : memref<!tpu.dma_semaphore, #tpu.memory_space<semaphore_mem>>) src(%dma_wait3A_187 : memref<16x512xi32, #tpu.memory_space<hbm>>) dst(%dma_wait3A_183 : memref<16x512xi32, #tpu.memory_space<vmem>>)
      %mul3A_188 = arith.constant 2 : i32
      %mul3A_189 = arith.muli %mul3A_188, %scan3A_144 : i32
      %add3A_190 = arith.constant 1 : i32
      %add3A_191 = arith.addi %mul3A_189, %add3A_190 : i32
      %mul3A_192 = arith.constant 16 : i32
      %mul3A_193 = arith.muli %add3A_191, %mul3A_192 : i32
      %add3A_194 = arith.addi %mul3A_2, %mul3A_193 : i32
      %jit3A_195 = arith.constant 512 : i32
      %div3A_196 = arith.divsi %add3A_194, %jit3A_195 : i32
      %sign3A_197 = arith.constant 0 : i32
      %sign3A_198 = arith.cmpi sgt, %add3A_194, %sign3A_197 : i32
      %sign3A_199 = arith.extui %sign3A_198 : i1 to i32
      %sign3A_200 = arith.constant 0 : i32
      %sign3A_201 = arith.cmpi slt, %add3A_194, %sign3A_200 : i32
      %sign3A_202 = arith.extui %sign3A_201 : i1 to i32
      %sign3A_203 = arith.subi %sign3A_199, %sign3A_202 : i32
      %sign3A_204 = arith.constant 0 : i32
      %sign3A_205 = arith.cmpi sgt, %jit3A_195, %sign3A_204 : i32
      %sign3A_206 = arith.extui %sign3A_205 : i1 to i32
      %sign3A_207 = arith.constant 0 : i32
      %sign3A_208 = arith.cmpi slt, %jit3A_195, %sign3A_207 : i32
      %sign3A_209 = arith.extui %sign3A_208 : i1 to i32
      %sign3A_210 = arith.subi %sign3A_206, %sign3A_209 : i32
      %ne3A_211 = arith.cmpi ne, %sign3A_203, %sign3A_210 : i32
      %rem3A_212 = arith.remsi %add3A_194, %jit3A_195 : i32
      %ne3A_213 = arith.constant 0 : i32
      %ne3A_214 = arith.cmpi ne, %rem3A_212, %ne3A_213 : i32
      %and3A_215 = arith.andi %ne3A_211, %ne3A_214 : i1
      %sub3A_216 = arith.constant 1 : i32
      %sub3A_217 = arith.subi %div3A_196, %sub3A_216 : i32
      %select_n3A_218 = arith.select %and3A_215, %sub3A_217, %div3A_196 : i32
      %jit3A_219 = arith.constant 512 : i32
      %eq3A_220 = arith.constant 0 : i32
      %eq3A_221 = arith.cmpi eq, %jit3A_219, %eq3A_220 : i32
      %jit3A_222 = arith.constant 1 : i32
      %select_n3A_223 = arith.select %eq3A_221, %jit3A_222, %jit3A_219 : i32
      %rem3A_224 = arith.remsi %add3A_194, %select_n3A_223 : i32
      %ne3A_225 = arith.constant 0 : i32
      %ne3A_226 = arith.cmpi ne, %rem3A_224, %ne3A_225 : i32
      %lt3A_227 = arith.constant 0 : i32
      %lt3A_228 = arith.cmpi slt, %rem3A_224, %lt3A_227 : i32
      %lt3A_229 = arith.constant 0 : i32
      %lt3A_230 = arith.cmpi slt, %select_n3A_223, %lt3A_229 : i32
      %ne3A_231 = arith.xori %lt3A_228, %lt3A_230 : i1
      %and3A_232 = arith.andi %ne3A_231, %ne3A_226 : i1
      %add3A_233 = arith.addi %rem3A_224, %select_n3A_223 : i32
      %select_n3A_234 = arith.select %and3A_232, %add3A_233, %rem3A_224 : i32
      %dma_start3A_235 = arith.constant 1 : i32
      %dma_start3A_236 = arith.constant 0 : i32
      %dma_start3A_237 = arith.constant 0 : i32
      %dma_start3A_238 = arith.constant 0 : i32
      %dma_start3A_239 = tpu.memref_slice %arg5[%dma_start3A_235, %dma_start3A_236, %dma_start3A_237, %dma_start3A_238] : memref<2x2x16x512xf32, #tpu.memory_space<vmem>> -> memref<1x2x16x512xf32, #tpu.memory_space<vmem>>
      %dma_start3A_240 = tpu.memref_squeeze %dma_start3A_239 : memref<1x2x16x512xf32, #tpu.memory_space<vmem>> -> memref<2x16x512xf32, #tpu.memory_space<vmem>>
      %dma_start3A_241 = arith.constant 0 : i32
      %dma_start3A_242 = arith.constant 0 : i32
      %dma_start3A_243 = tpu.memref_slice %arg2[%select_n3A_218, %dma_start3A_241, %select_n3A_234, %dma_start3A_242] : memref<16x2x512x512xf32, #tpu.memory_space<hbm>> -> memref<1x2x16x512xf32, #tpu.memory_space<hbm>>
      %dma_start3A_244 = tpu.memref_squeeze %dma_start3A_243 : memref<1x2x16x512xf32, #tpu.memory_space<hbm>> -> memref<2x16x512xf32, #tpu.memory_space<hbm>>
      %dma_start3A_245 = arith.constant 0 : i32
      %dma_start3A_246 = arith.constant 0 : i32
      %dma_start3A_247 = arith.constant 0 : i32
      %dma_start3A_248 = tpu.memref_slice %arg5[%dma_start3A_235, %dma_start3A_245, %dma_start3A_246, %dma_start3A_247] : memref<2x2x16x512xf32, #tpu.memory_space<vmem>> -> memref<1x2x16x512xf32, #tpu.memory_space<vmem>>
      %dma_start3A_249 = tpu.memref_squeeze %dma_start3A_248 : memref<1x2x16x512xf32, #tpu.memory_space<vmem>> -> memref<2x16x512xf32, #tpu.memory_space<vmem>>
      %dma_start3A_250 = arith.constant 0 : i32
      %dma_start3A_251 = arith.constant 0 : i32
      %dma_start3A_252 = tpu.memref_slice %arg2[%select_n3A_218, %dma_start3A_250, %select_n3A_234, %dma_start3A_251] : memref<16x2x512x512xf32, #tpu.memory_space<hbm>> -> memref<1x2x16x512xf32, #tpu.memory_space<hbm>>
      %dma_start3A_253 = tpu.memref_squeeze %dma_start3A_252 : memref<1x2x16x512xf32, #tpu.memory_space<hbm>> -> memref<2x16x512xf32, #tpu.memory_space<hbm>>
      tpu.enqueue_dma source(%dma_start3A_253 : memref<2x16x512xf32, #tpu.memory_space<hbm>>) target(%dma_start3A_249 : memref<2x16x512xf32, #tpu.memory_space<vmem>>) target_semaphore(%arg10 : memref<!tpu.dma_semaphore, #tpu.memory_space<semaphore_mem>>)
      %dma_start3A_254 = arith.constant 1 : i32
      %dma_start3A_255 = arith.constant 0 : i32
      %dma_start3A_256 = arith.constant 0 : i32
      %dma_start3A_257 = tpu.memref_slice %arg6[%dma_start3A_254, %dma_start3A_255, %dma_start3A_256] : memref<2x16x512xi32, #tpu.memory_space<vmem>> -> memref<1x16x512xi32, #tpu.memory_space<vmem>>
      %dma_start3A_258 = tpu.memref_squeeze %dma_start3A_257 : memref<1x16x512xi32, #tpu.memory_space<vmem>> -> memref<16x512xi32, #tpu.memory_space<vmem>>
      %dma_start3A_259 = arith.constant 0 : i32
      %dma_start3A_260 = tpu.memref_slice %arg3[%select_n3A_218, %select_n3A_234, %dma_start3A_259] : memref<16x512x512xi32, #tpu.memory_space<hbm>> -> memref<1x16x512xi32, #tpu.memory_space<hbm>>
      %dma_start3A_261 = tpu.memref_squeeze %dma_start3A_260 : memref<1x16x512xi32, #tpu.memory_space<hbm>> -> memref<16x512xi32, #tpu.memory_space<hbm>>
      %dma_start3A_262 = arith.constant 0 : i32
      %dma_start3A_263 = arith.constant 0 : i32
      %dma_start3A_264 = tpu.memref_slice %arg6[%dma_start3A_254, %dma_start3A_262, %dma_start3A_263] : memref<2x16x512xi32, #tpu.memory_space<vmem>> -> memref<1x16x512xi32, #tpu.memory_space<vmem>>
      %dma_start3A_265 = tpu.memref_squeeze %dma_start3A_264 : memref<1x16x512xi32, #tpu.memory_space<vmem>> -> memref<16x512xi32, #tpu.memory_space<vmem>>
      %dma_start3A_266 = arith.constant 0 : i32
      %dma_start3A_267 = tpu.memref_slice %arg3[%select_n3A_218, %select_n3A_234, %dma_start3A_266] : memref<16x512x512xi32, #tpu.memory_space<hbm>> -> memref<1x16x512xi32, #tpu.memory_space<hbm>>
      %dma_start3A_268 = tpu.memref_squeeze %dma_start3A_267 : memref<1x16x512xi32, #tpu.memory_space<hbm>> -> memref<16x512xi32, #tpu.memory_space<hbm>>
      tpu.enqueue_dma source(%dma_start3A_268 : memref<16x512xi32, #tpu.memory_space<hbm>>) target(%dma_start3A_265 : memref<16x512xi32, #tpu.memory_space<vmem>>) target_semaphore(%arg11 : memref<!tpu.dma_semaphore, #tpu.memory_space<semaphore_mem>>)
      %scan3A_269 = arith.constant 0 : i32
      %scan3A_270 = arith.constant 64 : i32
      %scan3A_271 = arith.addi %scan3A_269, %scan3A_270 : i32
      %scan3A_272 = arith.constant 1 : i32
      %scan3A_273:3 = scf.for %scan3A_328 = %scan3A_269 to %scan3A_271 step %scan3A_272 iter_args(%scan3A_329 = %scan3A_145, %scan3A_330 = %scan3A_146, %scan3A_331 = %scan3A_147) -> (vector<16xf32>, vector<16xf32>, vector<16xf32>)  : i32 {
        %jit3A_332 = arith.constant 4 : i32
        %div3A_333 = arith.divsi %scan3A_328, %jit3A_332 : i32
        %sign3A_334 = arith.constant 0 : i32
        %sign3A_335 = arith.cmpi sgt, %scan3A_328, %sign3A_334 : i32
        %sign3A_336 = arith.extui %sign3A_335 : i1 to i32
        %sign3A_337 = arith.constant 0 : i32
        %sign3A_338 = arith.cmpi slt, %scan3A_328, %sign3A_337 : i32
        %sign3A_339 = arith.extui %sign3A_338 : i1 to i32
        %sign3A_340 = arith.subi %sign3A_336, %sign3A_339 : i32
        %sign3A_341 = arith.constant 0 : i32
        %sign3A_342 = arith.cmpi sgt, %jit3A_332, %sign3A_341 : i32
        %sign3A_343 = arith.extui %sign3A_342 : i1 to i32
        %sign3A_344 = arith.constant 0 : i32
        %sign3A_345 = arith.cmpi slt, %jit3A_332, %sign3A_344 : i32
        %sign3A_346 = arith.extui %sign3A_345 : i1 to i32
        %sign3A_347 = arith.subi %sign3A_343, %sign3A_346 : i32
        %ne3A_348 = arith.cmpi ne, %sign3A_340, %sign3A_347 : i32
        %rem3A_349 = arith.remsi %scan3A_328, %jit3A_332 : i32
        %ne3A_350 = arith.constant 0 : i32
        %ne3A_351 = arith.cmpi ne, %rem3A_349, %ne3A_350 : i32
        %and3A_352 = arith.andi %ne3A_348, %ne3A_351 : i1
        %sub3A_353 = arith.constant 1 : i32
        %sub3A_354 = arith.subi %div3A_333, %sub3A_353 : i32
        %select_n3A_355 = arith.select %and3A_352, %sub3A_354, %div3A_333 : i32
        %jit3A_356 = arith.constant 4 : i32
        %eq3A_357 = arith.constant 0 : i32
        %eq3A_358 = arith.cmpi eq, %jit3A_356, %eq3A_357 : i32
        %jit3A_359 = arith.constant 1 : i32
        %select_n3A_360 = arith.select %eq3A_358, %jit3A_359, %jit3A_356 : i32
        %rem3A_361 = arith.remsi %scan3A_328, %select_n3A_360 : i32
        %ne3A_362 = arith.constant 0 : i32
        %ne3A_363 = arith.cmpi ne, %rem3A_361, %ne3A_362 : i32
        %lt3A_364 = arith.constant 0 : i32
        %lt3A_365 = arith.cmpi slt, %rem3A_361, %lt3A_364 : i32
        %lt3A_366 = arith.constant 0 : i32
        %lt3A_367 = arith.cmpi slt, %select_n3A_360, %lt3A_366 : i32
        %ne3A_368 = arith.xori %lt3A_365, %lt3A_367 : i1
        %and3A_369 = arith.andi %ne3A_368, %ne3A_363 : i1
        %add3A_370 = arith.addi %rem3A_361, %select_n3A_360 : i32
        %select_n3A_371 = arith.select %and3A_369, %add3A_370, %rem3A_361 : i32
        %mul3A_372 = arith.constant 128 : i32
        %mul3A_373 = arith.muli %select_n3A_371, %mul3A_372 : i32
        %add3A_374 = arith.constant 0 : i32
        %add3A_375 = arith.addi %mul3A_373, %add3A_374 : i32
        %get3A = arith.constant 0 : i32
        %get3A_376 = arith.constant 0 : i32
        %get3A_377 = arith.index_cast %get3A : i32 to index
        %get3A_378 = arith.index_cast %get3A_376 : i32 to index
        %get3A_379 = arith.index_cast %select_n3A_355 : i32 to index
        %get3A_380 = arith.index_cast %add3A_375 : i32 to index
        %get3A_381 = tpu.vector_load %arg5[%get3A_377, %get3A_378, %get3A_379, %get3A_380] {strides = array<i32>} : memref<2x2x16x512xf32, #tpu.memory_space<vmem>>, vector<1x1x1x16xf32>,
        %get3A_382 = vector.shape_cast %get3A_381 : vector<1x1x1x16xf32> to vector<16xf32>
        %get3A_383 = arith.constant 0 : i32
        %get3A_384 = arith.constant 1 : i32
        %get3A_385 = arith.index_cast %get3A_383 : i32 to index
        %get3A_386 = arith.index_cast %get3A_384 : i32 to index
        %get3A_387 = arith.index_cast %select_n3A_355 : i32 to index
        %get3A_388 = arith.index_cast %add3A_375 : i32 to index
        %get3A_389 = tpu.vector_load %arg5[%get3A_385, %get3A_386, %get3A_387, %get3A_388] {strides = array<i32>} : memref<2x2x16x512xf32, #tpu.memory_space<vmem>>, vector<1x1x1x16xf32>,
        %get3A_390 = vector.shape_cast %get3A_389 : vector<1x1x1x16xf32> to vector<16xf32>
        %get3A_391 = arith.constant 0 : i32
        %get3A_392 = arith.index_cast %get3A_391 : i32 to index
        %get3A_393 = arith.index_cast %select_n3A_355 : i32 to index
        %get3A_394 = arith.index_cast %add3A_375 : i32 to index
        %get3A_395 = tpu.vector_load %arg6[%get3A_392, %get3A_393, %get3A_394] {strides = array<i32>} : memref<2x16x512xi32, #tpu.memory_space<vmem>>, vector<1x1x16xi32>,
        %get3A_396 = vector.shape_cast %get3A_395 : vector<1x1x16xi32> to vector<16xi32>
        %sub3A_397 = arith.subf %get3A_390, %get3A_382 : vector<16xf32>
        %exp3A = math.exp %sub3A_397 : vector<16xf32>
        %add3A_398 = arith.constant 1.000000e+00 : f32
        %add3A_399 = vector.broadcast %add3A_398 : f32 to vector<16xf32>
        %add3A_400 = arith.addf %add3A_399, %exp3A : vector<16xf32>
        %div3A_401 = arith.constant 1.000000e+00 : f32
        %div3A_402 = vector.broadcast %div3A_401 : f32 to vector<16xf32>
        %div3A_403 = arith.divf %div3A_402, %add3A_400 : vector<16xf32>
        %sub3A_404 = arith.constant 5.000000e-01 : f32
        %sub3A_405 = vector.broadcast %sub3A_404 : f32 to vector<16xf32>
        %sub3A_406 = arith.subf %div3A_403, %sub3A_405 : vector<16xf32>
        %convert_element_type3A_407 = arith.sitofp %get3A_396 : vector<16xi32> to vector<16xf32>
        %add3A_408 = arith.addf %scan3A_329, %sub3A_406 : vector<16xf32>
        %mul3A_409 = arith.mulf %convert_element_type3A_407, %sub3A_406 : vector<16xf32>
        %add3A_410 = arith.addf %scan3A_330, %mul3A_409 : vector<16xf32>
        %add3A_411 = arith.addf %scan3A_331, %convert_element_type3A_407 : vector<16xf32>
        %add3A_412 = arith.constant 16 : i32
        %add3A_413 = arith.addi %mul3A_373, %add3A_412 : i32
        %get3A_414 = arith.constant 0 : i32
        %get3A_415 = arith.constant 0 : i32
        %get3A_416 = arith.index_cast %get3A_414 : i32 to index
        %get3A_417 = arith.index_cast %get3A_415 : i32 to index
        %get3A_418 = arith.index_cast %select_n3A_355 : i32 to index
        %get3A_419 = arith.index_cast %add3A_413 : i32 to index
        %get3A_420 = tpu.vector_load %arg5[%get3A_416, %get3A_417, %get3A_418, %get3A_419] {strides = array<i32>} : memref<2x2x16x512xf32, #tpu.memory_space<vmem>>, vector<1x1x1x16xf32>,
        %get3A_421 = vector.shape_cast %get3A_420 : vector<1x1x1x16xf32> to vector<16xf32>
        %get3A_422 = arith.constant 0 : i32
        %get3A_423 = arith.constant 1 : i32
        %get3A_424 = arith.index_cast %get3A_422 : i32 to index
        %get3A_425 = arith.index_cast %get3A_423 : i32 to index
        %get3A_426 = arith.index_cast %select_n3A_355 : i32 to index
        %get3A_427 = arith.index_cast %add3A_413 : i32 to index
        %get3A_428 = tpu.vector_load %arg5[%get3A_424, %get3A_425, %get3A_426, %get3A_427] {strides = array<i32>} : memref<2x2x16x512xf32, #tpu.memory_space<vmem>>, vector<1x1x1x16xf32>,
        %get3A_429 = vector.shape_cast %get3A_428 : vector<1x1x1x16xf32> to vector<16xf32>
        %get3A_430 = arith.constant 0 : i32
        %get3A_431 = arith.index_cast %get3A_430 : i32 to index
        %get3A_432 = arith.index_cast %select_n3A_355 : i32 to index
        %get3A_433 = arith.index_cast %add3A_413 : i32 to index
        %get3A_434 = tpu.vector_load %arg6[%get3A_431, %get3A_432, %get3A_433] {strides = array<i32>} : memref<2x16x512xi32, #tpu.memory_space<vmem>>, vector<1x1x16xi32>,
        %get3A_435 = vector.shape_cast %get3A_434 : vector<1x1x16xi32> to vector<16xi32>
        %sub3A_436 = arith.subf %get3A_429, %get3A_421 : vector<16xf32>
        %exp3A_437 = math.exp %sub3A_436 : vector<16xf32>
        %add3A_438 = arith.constant 1.000000e+00 : f32
        %add3A_439 = vector.broadcast %add3A_438 : f32 to vector<16xf32>
        %add3A_440 = arith.addf %add3A_439, %exp3A_437 : vector<16xf32>
        %div3A_441 = arith.constant 1.000000e+00 : f32
        %div3A_442 = vector.broadcast %div3A_441 : f32 to vector<16xf32>
        %div3A_443 = arith.divf %div3A_442, %add3A_440 : vector<16xf32>
        %sub3A_444 = arith.constant 5.000000e-01 : f32
        %sub3A_445 = vector.broadcast %sub3A_444 : f32 to vector<16xf32>
        %sub3A_446 = arith.subf %div3A_443, %sub3A_445 : vector<16xf32>
        %convert_element_type3A_447 = arith.sitofp %get3A_435 : vector<16xi32> to vector<16xf32>
        %add3A_448 = arith.addf %add3A_408, %sub3A_446 : vector<16xf32>
        %mul3A_449 = arith.mulf %convert_element_type3A_447, %sub3A_446 : vector<16xf32>
        %add3A_450 = arith.addf %add3A_410, %mul3A_449 : vector<16xf32>
        %add3A_451 = arith.addf %add3A_411, %convert_element_type3A_447 : vector<16xf32>
        %add3A_452 = arith.constant 32 : i32
        %add3A_453 = arith.addi %mul3A_373, %add3A_452 : i32
        %get3A_454 = arith.constant 0 : i32
        %get3A_455 = arith.constant 0 : i32
        %get3A_456 = arith.index_cast %get3A_454 : i32 to index
        %get3A_457 = arith.index_cast %get3A_455 : i32 to index
        %get3A_458 = arith.index_cast %select_n3A_355 : i32 to index
        %get3A_459 = arith.index_cast %add3A_453 : i32 to index
        %get3A_460 = tpu.vector_load %arg5[%get3A_456, %get3A_457, %get3A_458, %get3A_459] {strides = array<i32>} : memref<2x2x16x512xf32, #tpu.memory_space<vmem>>, vector<1x1x1x16xf32>,
        %get3A_461 = vector.shape_cast %get3A_460 : vector<1x1x1x16xf32> to vector<16xf32>
        %get3A_462 = arith.constant 0 : i32
        %get3A_463 = arith.constant 1 : i32
        %get3A_464 = arith.index_cast %get3A_462 : i32 to index
        %get3A_465 = arith.index_cast %get3A_463 : i32 to index
        %get3A_466 = arith.index_cast %select_n3A_355 : i32 to index
        %get3A_467 = arith.index_cast %add3A_453 : i32 to index
        %get3A_468 = tpu.vector_load %arg5[%get3A_464, %get3A_465, %get3A_466, %get3A_467] {strides = array<i32>} : memref<2x2x16x512xf32, #tpu.memory_space<vmem>>, vector<1x1x1x16xf32>,
        %get3A_469 = vector.shape_cast %get3A_468 : vector<1x1x1x16xf32> to vector<16xf32>
        %get3A_470 = arith.constant 0 : i32
        %get3A_471 = arith.index_cast %get3A_470 : i32 to index
        %get3A_472 = arith.index_cast %select_n3A_355 : i32 to index
        %get3A_473 = arith.index_cast %add3A_453 : i32 to index
        %get3A_474 = tpu.vector_load %arg6[%get3A_471, %get3A_472, %get3A_473] {strides = array<i32>} : memref<2x16x512xi32, #tpu.memory_space<vmem>>, vector<1x1x16xi32>,
        %get3A_475 = vector.shape_cast %get3A_474 : vector<1x1x16xi32> to vector<16xi32>
        %sub3A_476 = arith.subf %get3A_469, %get3A_461 : vector<16xf32>
        %exp3A_477 = math.exp %sub3A_476 : vector<16xf32>
        %add3A_478 = arith.constant 1.000000e+00 : f32
        %add3A_479 = vector.broadcast %add3A_478 : f32 to vector<16xf32>
        %add3A_480 = arith.addf %add3A_479, %exp3A_477 : vector<16xf32>
        %div3A_481 = arith.constant 1.000000e+00 : f32
        %div3A_482 = vector.broadcast %div3A_481 : f32 to vector<16xf32>
        %div3A_483 = arith.divf %div3A_482, %add3A_480 : vector<16xf32>
        %sub3A_484 = arith.constant 5.000000e-01 : f32
        %sub3A_485 = vector.broadcast %sub3A_484 : f32 to vector<16xf32>
        %sub3A_486 = arith.subf %div3A_483, %sub3A_485 : vector<16xf32>
        %convert_element_type3A_487 = arith.sitofp %get3A_475 : vector<16xi32> to vector<16xf32>
        %add3A_488 = arith.addf %add3A_448, %sub3A_486 : vector<16xf32>
        %mul3A_489 = arith.mulf %convert_element_type3A_487, %sub3A_486 : vector<16xf32>
        %add3A_490 = arith.addf %add3A_450, %mul3A_489 : vector<16xf32>
        %add3A_491 = arith.addf %add3A_451, %convert_element_type3A_487 : vector<16xf32>
        %add3A_492 = arith.constant 48 : i32
        %add3A_493 = arith.addi %mul3A_373, %add3A_492 : i32
        %get3A_494 = arith.constant 0 : i32
        %get3A_495 = arith.constant 0 : i32
        %get3A_496 = arith.index_cast %get3A_494 : i32 to index
        %get3A_497 = arith.index_cast %get3A_495 : i32 to index
        %get3A_498 = arith.index_cast %select_n3A_355 : i32 to index
        %get3A_499 = arith.index_cast %add3A_493 : i32 to index
        %get3A_500 = tpu.vector_load %arg5[%get3A_496, %get3A_497, %get3A_498, %get3A_499] {strides = array<i32>} : memref<2x2x16x512xf32, #tpu.memory_space<vmem>>, vector<1x1x1x16xf32>,
        %get3A_501 = vector.shape_cast %get3A_500 : vector<1x1x1x16xf32> to vector<16xf32>
        %get3A_502 = arith.constant 0 : i32
        %get3A_503 = arith.constant 1 : i32
        %get3A_504 = arith.index_cast %get3A_502 : i32 to index
        %get3A_505 = arith.index_cast %get3A_503 : i32 to index
        %get3A_506 = arith.index_cast %select_n3A_355 : i32 to index
        %get3A_507 = arith.index_cast %add3A_493 : i32 to index
        %get3A_508 = tpu.vector_load %arg5[%get3A_504, %get3A_505, %get3A_506, %get3A_507] {strides = array<i32>} : memref<2x2x16x512xf32, #tpu.memory_space<vmem>>, vector<1x1x1x16xf32>,
        %get3A_509 = vector.shape_cast %get3A_508 : vector<1x1x1x16xf32> to vector<16xf32>
        %get3A_510 = arith.constant 0 : i32
        %get3A_511 = arith.index_cast %get3A_510 : i32 to index
        %get3A_512 = arith.index_cast %select_n3A_355 : i32 to index
        %get3A_513 = arith.index_cast %add3A_493 : i32 to index
        %get3A_514 = tpu.vector_load %arg6[%get3A_511, %get3A_512, %get3A_513] {strides = array<i32>} : memref<2x16x512xi32, #tpu.memory_space<vmem>>, vector<1x1x16xi32>,
        %get3A_515 = vector.shape_cast %get3A_514 : vector<1x1x16xi32> to vector<16xi32>
        %sub3A_516 = arith.subf %get3A_509, %get3A_501 : vector<16xf32>
        %exp3A_517 = math.exp %sub3A_516 : vector<16xf32>
        %add3A_518 = arith.constant 1.000000e+00 : f32
        %add3A_519 = vector.broadcast %add3A_518 : f32 to vector<16xf32>
        %add3A_520 = arith.addf %add3A_519, %exp3A_517 : vector<16xf32>
        %div3A_521 = arith.constant 1.000000e+00 : f32
        %div3A_522 = vector.broadcast %div3A_521 : f32 to vector<16xf32>
        %div3A_523 = arith.divf %div3A_522, %add3A_520 : vector<16xf32>
        %sub3A_524 = arith.constant 5.000000e-01 : f32
        %sub3A_525 = vector.broadcast %sub3A_524 : f32 to vector<16xf32>
        %sub3A_526 = arith.subf %div3A_523, %sub3A_525 : vector<16xf32>
        %convert_element_type3A_527 = arith.sitofp %get3A_515 : vector<16xi32> to vector<16xf32>
        %add3A_528 = arith.addf %add3A_488, %sub3A_526 : vector<16xf32>
        %mul3A_529 = arith.mulf %convert_element_type3A_527, %sub3A_526 : vector<16xf32>
        %add3A_530 = arith.addf %add3A_490, %mul3A_529 : vector<16xf32>
        %add3A_531 = arith.addf %add3A_491, %convert_element_type3A_527 : vector<16xf32>
        %add3A_532 = arith.constant 64 : i32
        %add3A_533 = arith.addi %mul3A_373, %add3A_532 : i32
        %get3A_534 = arith.constant 0 : i32
        %get3A_535 = arith.constant 0 : i32
        %get3A_536 = arith.index_cast %get3A_534 : i32 to index
        %get3A_537 = arith.index_cast %get3A_535 : i32 to index
        %get3A_538 = arith.index_cast %select_n3A_355 : i32 to index
        %get3A_539 = arith.index_cast %add3A_533 : i32 to index
        %get3A_540 = tpu.vector_load %arg5[%get3A_536, %get3A_537, %get3A_538, %get3A_539] {strides = array<i32>} : memref<2x2x16x512xf32, #tpu.memory_space<vmem>>, vector<1x1x1x16xf32>,
        %get3A_541 = vector.shape_cast %get3A_540 : vector<1x1x1x16xf32> to vector<16xf32>
        %get3A_542 = arith.constant 0 : i32
        %get3A_543 = arith.constant 1 : i32
        %get3A_544 = arith.index_cast %get3A_542 : i32 to index
        %get3A_545 = arith.index_cast %get3A_543 : i32 to index
        %get3A_546 = arith.index_cast %select_n3A_355 : i32 to index
        %get3A_547 = arith.index_cast %add3A_533 : i32 to index
        %get3A_548 = tpu.vector_load %arg5[%get3A_544, %get3A_545, %get3A_546, %get3A_547] {strides = array<i32>} : memref<2x2x16x512xf32, #tpu.memory_space<vmem>>, vector<1x1x1x16xf32>,
        %get3A_549 = vector.shape_cast %get3A_548 : vector<1x1x1x16xf32> to vector<16xf32>
        %get3A_550 = arith.constant 0 : i32
        %get3A_551 = arith.index_cast %get3A_550 : i32 to index
        %get3A_552 = arith.index_cast %select_n3A_355 : i32 to index
        %get3A_553 = arith.index_cast %add3A_533 : i32 to index
        %get3A_554 = tpu.vector_load %arg6[%get3A_551, %get3A_552, %get3A_553] {strides = array<i32>} : memref<2x16x512xi32, #tpu.memory_space<vmem>>, vector<1x1x16xi32>,
        %get3A_555 = vector.shape_cast %get3A_554 : vector<1x1x16xi32> to vector<16xi32>
        %sub3A_556 = arith.subf %get3A_549, %get3A_541 : vector<16xf32>
        %exp3A_557 = math.exp %sub3A_556 : vector<16xf32>
        %add3A_558 = arith.constant 1.000000e+00 : f32
        %add3A_559 = vector.broadcast %add3A_558 : f32 to vector<16xf32>
        %add3A_560 = arith.addf %add3A_559, %exp3A_557 : vector<16xf32>
        %div3A_561 = arith.constant 1.000000e+00 : f32
        %div3A_562 = vector.broadcast %div3A_561 : f32 to vector<16xf32>
        %div3A_563 = arith.divf %div3A_562, %add3A_560 : vector<16xf32>
        %sub3A_564 = arith.constant 5.000000e-01 : f32
        %sub3A_565 = vector.broadcast %sub3A_564 : f32 to vector<16xf32>
        %sub3A_566 = arith.subf %div3A_563, %sub3A_565 : vector<16xf32>
        %convert_element_type3A_567 = arith.sitofp %get3A_555 : vector<16xi32> to vector<16xf32>
        %add3A_568 = arith.addf %add3A_528, %sub3A_566 : vector<16xf32>
        %mul3A_569 = arith.mulf %convert_element_type3A_567, %sub3A_566 : vector<16xf32>
        %add3A_570 = arith.addf %add3A_530, %mul3A_569 : vector<16xf32>
        %add3A_571 = arith.addf %add3A_531, %convert_element_type3A_567 : vector<16xf32>
        %add3A_572 = arith.constant 80 : i32
        %add3A_573 = arith.addi %mul3A_373, %add3A_572 : i32
        %get3A_574 = arith.constant 0 : i32
        %get3A_575 = arith.constant 0 : i32
        %get3A_576 = arith.index_cast %get3A_574 : i32 to index
        %get3A_577 = arith.index_cast %get3A_575 : i32 to index
        %get3A_578 = arith.index_cast %select_n3A_355 : i32 to index
        %get3A_579 = arith.index_cast %add3A_573 : i32 to index
        %get3A_580 = tpu.vector_load %arg5[%get3A_576, %get3A_577, %get3A_578, %get3A_579] {strides = array<i32>} : memref<2x2x16x512xf32, #tpu.memory_space<vmem>>, vector<1x1x1x16xf32>,
        %get3A_581 = vector.shape_cast %get3A_580 : vector<1x1x1x16xf32> to vector<16xf32>
        %get3A_582 = arith.constant 0 : i32
        %get3A_583 = arith.constant 1 : i32
        %get3A_584 = arith.index_cast %get3A_582 : i32 to index
        %get3A_585 = arith.index_cast %get3A_583 : i32 to index
        %get3A_586 = arith.index_cast %select_n3A_355 : i32 to index
        %get3A_587 = arith.index_cast %add3A_573 : i32 to index
        %get3A_588 = tpu.vector_load %arg5[%get3A_584, %get3A_585, %get3A_586, %get3A_587] {strides = array<i32>} : memref<2x2x16x512xf32, #tpu.memory_space<vmem>>, vector<1x1x1x16xf32>,
        %get3A_589 = vector.shape_cast %get3A_588 : vector<1x1x1x16xf32> to vector<16xf32>
        %get3A_590 = arith.constant 0 : i32
        %get3A_591 = arith.index_cast %get3A_590 : i32 to index
        %get3A_592 = arith.index_cast %select_n3A_355 : i32 to index
        %get3A_593 = arith.index_cast %add3A_573 : i32 to index
        %get3A_594 = tpu.vector_load %arg6[%get3A_591, %get3A_592, %get3A_593] {strides = array<i32>} : memref<2x16x512xi32, #tpu.memory_space<vmem>>, vector<1x1x16xi32>,
        %get3A_595 = vector.shape_cast %get3A_594 : vector<1x1x16xi32> to vector<16xi32>
        %sub3A_596 = arith.subf %get3A_589, %get3A_581 : vector<16xf32>
        %exp3A_597 = math.exp %sub3A_596 : vector<16xf32>
        %add3A_598 = arith.constant 1.000000e+00 : f32
        %add3A_599 = vector.broadcast %add3A_598 : f32 to vector<16xf32>
        %add3A_600 = arith.addf %add3A_599, %exp3A_597 : vector<16xf32>
        %div3A_601 = arith.constant 1.000000e+00 : f32
        %div3A_602 = vector.broadcast %div3A_601 : f32 to vector<16xf32>
        %div3A_603 = arith.divf %div3A_602, %add3A_600 : vector<16xf32>
        %sub3A_604 = arith.constant 5.000000e-01 : f32
        %sub3A_605 = vector.broadcast %sub3A_604 : f32 to vector<16xf32>
        %sub3A_606 = arith.subf %div3A_603, %sub3A_605 : vector<16xf32>
        %convert_element_type3A_607 = arith.sitofp %get3A_595 : vector<16xi32> to vector<16xf32>
        %add3A_608 = arith.addf %add3A_568, %sub3A_606 : vector<16xf32>
        %mul3A_609 = arith.mulf %convert_element_type3A_607, %sub3A_606 : vector<16xf32>
        %add3A_610 = arith.addf %add3A_570, %mul3A_609 : vector<16xf32>
        %add3A_611 = arith.addf %add3A_571, %convert_element_type3A_607 : vector<16xf32>
        %add3A_612 = arith.constant 96 : i32
        %add3A_613 = arith.addi %mul3A_373, %add3A_612 : i32
        %get3A_614 = arith.constant 0 : i32
        %get3A_615 = arith.constant 0 : i32
        %get3A_616 = arith.index_cast %get3A_614 : i32 to index
        %get3A_617 = arith.index_cast %get3A_615 : i32 to index
        %get3A_618 = arith.index_cast %select_n3A_355 : i32 to index
        %get3A_619 = arith.index_cast %add3A_613 : i32 to index
        %get3A_620 = tpu.vector_load %arg5[%get3A_616, %get3A_617, %get3A_618, %get3A_619] {strides = array<i32>} : memref<2x2x16x512xf32, #tpu.memory_space<vmem>>, vector<1x1x1x16xf32>,
        %get3A_621 = vector.shape_cast %get3A_620 : vector<1x1x1x16xf32> to vector<16xf32>
        %get3A_622 = arith.constant 0 : i32
        %get3A_623 = arith.constant 1 : i32
        %get3A_624 = arith.index_cast %get3A_622 : i32 to index
        %get3A_625 = arith.index_cast %get3A_623 : i32 to index
        %get3A_626 = arith.index_cast %select_n3A_355 : i32 to index
        %get3A_627 = arith.index_cast %add3A_613 : i32 to index
        %get3A_628 = tpu.vector_load %arg5[%get3A_624, %get3A_625, %get3A_626, %get3A_627] {strides = array<i32>} : memref<2x2x16x512xf32, #tpu.memory_space<vmem>>, vector<1x1x1x16xf32>,
        %get3A_629 = vector.shape_cast %get3A_628 : vector<1x1x1x16xf32> to vector<16xf32>
        %get3A_630 = arith.constant 0 : i32
        %get3A_631 = arith.index_cast %get3A_630 : i32 to index
        %get3A_632 = arith.index_cast %select_n3A_355 : i32 to index
        %get3A_633 = arith.index_cast %add3A_613 : i32 to index
        %get3A_634 = tpu.vector_load %arg6[%get3A_631, %get3A_632, %get3A_633] {strides = array<i32>} : memref<2x16x512xi32, #tpu.memory_space<vmem>>, vector<1x1x16xi32>,
        %get3A_635 = vector.shape_cast %get3A_634 : vector<1x1x16xi32> to vector<16xi32>
        %sub3A_636 = arith.subf %get3A_629, %get3A_621 : vector<16xf32>
        %exp3A_637 = math.exp %sub3A_636 : vector<16xf32>
        %add3A_638 = arith.constant 1.000000e+00 : f32
        %add3A_639 = vector.broadcast %add3A_638 : f32 to vector<16xf32>
        %add3A_640 = arith.addf %add3A_639, %exp3A_637 : vector<16xf32>
        %div3A_641 = arith.constant 1.000000e+00 : f32
        %div3A_642 = vector.broadcast %div3A_641 : f32 to vector<16xf32>
        %div3A_643 = arith.divf %div3A_642, %add3A_640 : vector<16xf32>
        %sub3A_644 = arith.constant 5.000000e-01 : f32
        %sub3A_645 = vector.broadcast %sub3A_644 : f32 to vector<16xf32>
        %sub3A_646 = arith.subf %div3A_643, %sub3A_645 : vector<16xf32>
        %convert_element_type3A_647 = arith.sitofp %get3A_635 : vector<16xi32> to vector<16xf32>
        %add3A_648 = arith.addf %add3A_608, %sub3A_646 : vector<16xf32>
        %mul3A_649 = arith.mulf %convert_element_type3A_647, %sub3A_646 : vector<16xf32>
        %add3A_650 = arith.addf %add3A_610, %mul3A_649 : vector<16xf32>
        %add3A_651 = arith.addf %add3A_611, %convert_element_type3A_647 : vector<16xf32>
        %add3A_652 = arith.constant 112 : i32
        %add3A_653 = arith.addi %mul3A_373, %add3A_652 : i32
        %get3A_654 = arith.constant 0 : i32
        %get3A_655 = arith.constant 0 : i32
        %get3A_656 = arith.index_cast %get3A_654 : i32 to index
        %get3A_657 = arith.index_cast %get3A_655 : i32 to index
        %get3A_658 = arith.index_cast %select_n3A_355 : i32 to index
        %get3A_659 = arith.index_cast %add3A_653 : i32 to index
        %get3A_660 = tpu.vector_load %arg5[%get3A_656, %get3A_657, %get3A_658, %get3A_659] {strides = array<i32>} : memref<2x2x16x512xf32, #tpu.memory_space<vmem>>, vector<1x1x1x16xf32>,
        %get3A_661 = vector.shape_cast %get3A_660 : vector<1x1x1x16xf32> to vector<16xf32>
        %get3A_662 = arith.constant 0 : i32
        %get3A_663 = arith.constant 1 : i32
        %get3A_664 = arith.index_cast %get3A_662 : i32 to index
        %get3A_665 = arith.index_cast %get3A_663 : i32 to index
        %get3A_666 = arith.index_cast %select_n3A_355 : i32 to index
        %get3A_667 = arith.index_cast %add3A_653 : i32 to index
        %get3A_668 = tpu.vector_load %arg5[%get3A_664, %get3A_665, %get3A_666, %get3A_667] {strides = array<i32>} : memref<2x2x16x512xf32, #tpu.memory_space<vmem>>, vector<1x1x1x16xf32>,
        %get3A_669 = vector.shape_cast %get3A_668 : vector<1x1x1x16xf32> to vector<16xf32>
        %get3A_670 = arith.constant 0 : i32
        %get3A_671 = arith.index_cast %get3A_670 : i32 to index
        %get3A_672 = arith.index_cast %select_n3A_355 : i32 to index
        %get3A_673 = arith.index_cast %add3A_653 : i32 to index
        %get3A_674 = tpu.vector_load %arg6[%get3A_671, %get3A_672, %get3A_673] {strides = array<i32>} : memref<2x16x512xi32, #tpu.memory_space<vmem>>, vector<1x1x16xi32>,
        %get3A_675 = vector.shape_cast %get3A_674 : vector<1x1x16xi32> to vector<16xi32>
        %sub3A_676 = arith.subf %get3A_669, %get3A_661 : vector<16xf32>
        %exp3A_677 = math.exp %sub3A_676 : vector<16xf32>
        %add3A_678 = arith.constant 1.000000e+00 : f32
        %add3A_679 = vector.broadcast %add3A_678 : f32 to vector<16xf32>
        %add3A_680 = arith.addf %add3A_679, %exp3A_677 : vector<16xf32>
        %div3A_681 = arith.constant 1.000000e+00 : f32
        %div3A_682 = vector.broadcast %div3A_681 : f32 to vector<16xf32>
        %div3A_683 = arith.divf %div3A_682, %add3A_680 : vector<16xf32>
        %sub3A_684 = arith.constant 5.000000e-01 : f32
        %sub3A_685 = vector.broadcast %sub3A_684 : f32 to vector<16xf32>
        %sub3A_686 = arith.subf %div3A_683, %sub3A_685 : vector<16xf32>
        %convert_element_type3A_687 = arith.sitofp %get3A_675 : vector<16xi32> to vector<16xf32>
        %add3A_688 = arith.addf %add3A_648, %sub3A_686 : vector<16xf32>
        %mul3A_689 = arith.mulf %convert_element_type3A_687, %sub3A_686 : vector<16xf32>
        %add3A_690 = arith.addf %add3A_650, %mul3A_689 : vector<16xf32>
        %add3A_691 = arith.addf %add3A_651, %convert_element_type3A_687 : vector<16xf32>
        scf.yield %add3A_688, %add3A_690, %add3A_691 : vector<16xf32>, vector<16xf32>, vector<16xf32>
      }
      %scan3A_274 = arith.constant 64 : i32
      %dma_wait3A_275 = arith.constant 0 : i32
      %dma_wait3A_276 = arith.constant 1 : i32
      %dma_wait3A_277 = arith.constant 0 : i32
      %dma_wait3A_278 = arith.constant 0 : i32
      %dma_wait3A_279 = arith.constant 0 : i32
      %dma_wait3A_280 = tpu.memref_slice %arg5[%dma_wait3A_276, %dma_wait3A_277, %dma_wait3A_278, %dma_wait3A_279] : memref<2x2x16x512xf32, #tpu.memory_space<vmem>> -> memref<1x2x16x512xf32, #tpu.memory_space<vmem>>
      %dma_wait3A_281 = tpu.memref_squeeze %dma_wait3A_280 : memref<1x2x16x512xf32, #tpu.memory_space<vmem>> -> memref<2x16x512xf32, #tpu.memory_space<vmem>>
      %dma_wait3A_282 = arith.constant 0 : i32
      %dma_wait3A_283 = arith.constant 0 : i32
      %dma_wait3A_284 = arith.constant 0 : i32
      %dma_wait3A_285 = tpu.memref_slice %arg2[%dma_wait3A_275, %dma_wait3A_282, %dma_wait3A_283, %dma_wait3A_284] : memref<16x2x512x512xf32, #tpu.memory_space<hbm>> -> memref<1x2x16x512xf32, #tpu.memory_space<hbm>>
      %dma_wait3A_286 = tpu.memref_squeeze %dma_wait3A_285 : memref<1x2x16x512xf32, #tpu.memory_space<hbm>> -> memref<2x16x512xf32, #tpu.memory_space<hbm>>
      %dma_wait3A_287 = arith.constant 0 : i32
      %dma_wait3A_288 = arith.constant 0 : i32
      %dma_wait3A_289 = arith.constant 0 : i32
      %dma_wait3A_290 = tpu.memref_slice %arg5[%dma_wait3A_276, %dma_wait3A_287, %dma_wait3A_288, %dma_wait3A_289] : memref<2x2x16x512xf32, #tpu.memory_space<vmem>> -> memref<1x2x16x512xf32, #tpu.memory_space<vmem>>
      %dma_wait3A_291 = tpu.memref_squeeze %dma_wait3A_290 : memref<1x2x16x512xf32, #tpu.memory_space<vmem>> -> memref<2x16x512xf32, #tpu.memory_space<vmem>>
      %dma_wait3A_292 = arith.constant 0 : i32
      %dma_wait3A_293 = arith.constant 0 : i32
      %dma_wait3A_294 = arith.constant 0 : i32
      %dma_wait3A_295 = tpu.memref_slice %arg2[%dma_wait3A_275, %dma_wait3A_292, %dma_wait3A_293, %dma_wait3A_294] : memref<16x2x512x512xf32, #tpu.memory_space<hbm>> -> memref<1x2x16x512xf32, #tpu.memory_space<hbm>>
      %dma_wait3A_296 = tpu.memref_squeeze %dma_wait3A_295 : memref<1x2x16x512xf32, #tpu.memory_space<hbm>> -> memref<2x16x512xf32, #tpu.memory_space<hbm>>
      tpu.wait_dma2 semaphore(%arg10 : memref<!tpu.dma_semaphore, #tpu.memory_space<semaphore_mem>>) src(%dma_wait3A_296 : memref<2x16x512xf32, #tpu.memory_space<hbm>>) dst(%dma_wait3A_291 : memref<2x16x512xf32, #tpu.memory_space<vmem>>)
      %dma_wait3A_297 = arith.constant 0 : i32
      %dma_wait3A_298 = arith.constant 1 : i32
      %dma_wait3A_299 = arith.constant 0 : i32
      %dma_wait3A_300 = arith.constant 0 : i32
      %dma_wait3A_301 = tpu.memref_slice %arg6[%dma_wait3A_298, %dma_wait3A_299, %dma_wait3A_300] : memref<2x16x512xi32, #tpu.memory_space<vmem>> -> memref<1x16x512xi32, #tpu.memory_space<vmem>>
      %dma_wait3A_302 = tpu.memref_squeeze %dma_wait3A_301 : memref<1x16x512xi32, #tpu.memory_space<vmem>> -> memref<16x512xi32, #tpu.memory_space<vmem>>
      %dma_wait3A_303 = arith.constant 0 : i32
      %dma_wait3A_304 = arith.constant 0 : i32
      %dma_wait3A_305 = tpu.memref_slice %arg3[%dma_wait3A_297, %dma_wait3A_303, %dma_wait3A_304] : memref<16x512x512xi32, #tpu.memory_space<hbm>> -> memref<1x16x512xi32, #tpu.memory_space<hbm>>
      %dma_wait3A_306 = tpu.memref_squeeze %dma_wait3A_305 : memref<1x16x512xi32, #tpu.memory_space<hbm>> -> memref<16x512xi32, #tpu.memory_space<hbm>>
      %dma_wait3A_307 = arith.constant 0 : i32
      %dma_wait3A_308 = arith.constant 0 : i32
      %dma_wait3A_309 = tpu.memref_slice %arg6[%dma_wait3A_298, %dma_wait3A_307, %dma_wait3A_308] : memref<2x16x512xi32, #tpu.memory_space<vmem>> -> memref<1x16x512xi32, #tpu.memory_space<vmem>>
      %dma_wait3A_310 = tpu.memref_squeeze %dma_wait3A_309 : memref<1x16x512xi32, #tpu.memory_space<vmem>> -> memref<16x512xi32, #tpu.memory_space<vmem>>
      %dma_wait3A_311 = arith.constant 0 : i32
      %dma_wait3A_312 = arith.constant 0 : i32
      %dma_wait3A_313 = tpu.memref_slice %arg3[%dma_wait3A_297, %dma_wait3A_311, %dma_wait3A_312] : memref<16x512x512xi32, #tpu.memory_space<hbm>> -> memref<1x16x512xi32, #tpu.memory_space<hbm>>
      %dma_wait3A_314 = tpu.memref_squeeze %dma_wait3A_313 : memref<1x16x512xi32, #tpu.memory_space<hbm>> -> memref<16x512xi32, #tpu.memory_space<hbm>>
      tpu.wait_dma2 semaphore(%arg11 : memref<!tpu.dma_semaphore, #tpu.memory_space<semaphore_mem>>) src(%dma_wait3A_314 : memref<16x512xi32, #tpu.memory_space<hbm>>) dst(%dma_wait3A_310 : memref<16x512xi32, #tpu.memory_space<vmem>>)
      %mul3A_315 = arith.constant 2 : i32
      %mul3A_316 = arith.muli %mul3A_315, %scan3A_144 : i32
      %add3A_317 = arith.constant 2 : i32
      %add3A_318 = arith.addi %mul3A_316, %add3A_317 : i32
      %lt3A_319 = arith.constant 7 : i32
      %lt3A_320 = arith.cmpi slt, %add3A_318, %lt3A_319 : i32
      %convert_element_type3A = arith.extui %lt3A_320 : i1 to i32
      %cond3A = arith.constant 0 : i32
      %cond3A_321 = arith.cmpi ne, %convert_element_type3A, %cond3A : i32
      scf.if %cond3A_321 {
        %mul3A_328 = arith.constant 2 : i32
        %mul3A_329 = arith.muli %mul3A_328, %scan3A_144 : i32
        %add3A_330 = arith.constant 2 : i32
        %add3A_331 = arith.addi %mul3A_329, %add3A_330 : i32
        %mul3A_332 = arith.constant 16 : i32
        %mul3A_333 = arith.muli %add3A_331, %mul3A_332 : i32
        %add3A_334 = arith.addi %mul3A_2, %mul3A_333 : i32
        %jit3A_335 = arith.constant 512 : i32
        %div3A_336 = arith.divsi %add3A_334, %jit3A_335 : i32
        %sign3A_337 = arith.constant 0 : i32
        %sign3A_338 = arith.cmpi sgt, %add3A_334, %sign3A_337 : i32
        %sign3A_339 = arith.extui %sign3A_338 : i1 to i32
        %sign3A_340 = arith.constant 0 : i32
        %sign3A_341 = arith.cmpi slt, %add3A_334, %sign3A_340 : i32
        %sign3A_342 = arith.extui %sign3A_341 : i1 to i32
        %sign3A_343 = arith.subi %sign3A_339, %sign3A_342 : i32
        %sign3A_344 = arith.constant 0 : i32
        %sign3A_345 = arith.cmpi sgt, %jit3A_335, %sign3A_344 : i32
        %sign3A_346 = arith.extui %sign3A_345 : i1 to i32
        %sign3A_347 = arith.constant 0 : i32
        %sign3A_348 = arith.cmpi slt, %jit3A_335, %sign3A_347 : i32
        %sign3A_349 = arith.extui %sign3A_348 : i1 to i32
        %sign3A_350 = arith.subi %sign3A_346, %sign3A_349 : i32
        %ne3A_351 = arith.cmpi ne, %sign3A_343, %sign3A_350 : i32
        %rem3A_352 = arith.remsi %add3A_334, %jit3A_335 : i32
        %ne3A_353 = arith.constant 0 : i32
        %ne3A_354 = arith.cmpi ne, %rem3A_352, %ne3A_353 : i32
        %and3A_355 = arith.andi %ne3A_351, %ne3A_354 : i1
        %sub3A_356 = arith.constant 1 : i32
        %sub3A_357 = arith.subi %div3A_336, %sub3A_356 : i32
        %select_n3A_358 = arith.select %and3A_355, %sub3A_357, %div3A_336 : i32
        %jit3A_359 = arith.constant 512 : i32
        %eq3A_360 = arith.constant 0 : i32
        %eq3A_361 = arith.cmpi eq, %jit3A_359, %eq3A_360 : i32
        %jit3A_362 = arith.constant 1 : i32
        %select_n3A_363 = arith.select %eq3A_361, %jit3A_362, %jit3A_359 : i32
        %rem3A_364 = arith.remsi %add3A_334, %select_n3A_363 : i32
        %ne3A_365 = arith.constant 0 : i32
        %ne3A_366 = arith.cmpi ne, %rem3A_364, %ne3A_365 : i32
        %lt3A_367 = arith.constant 0 : i32
        %lt3A_368 = arith.cmpi slt, %rem3A_364, %lt3A_367 : i32
        %lt3A_369 = arith.constant 0 : i32
        %lt3A_370 = arith.cmpi slt, %select_n3A_363, %lt3A_369 : i32
        %ne3A_371 = arith.xori %lt3A_368, %lt3A_370 : i1
        %and3A_372 = arith.andi %ne3A_371, %ne3A_366 : i1
        %add3A_373 = arith.addi %rem3A_364, %select_n3A_363 : i32
        %select_n3A_374 = arith.select %and3A_372, %add3A_373, %rem3A_364 : i32
        %dma_start3A_375 = arith.constant 0 : i32
        %dma_start3A_376 = arith.constant 0 : i32
        %dma_start3A_377 = arith.constant 0 : i32
        %dma_start3A_378 = arith.constant 0 : i32
        %dma_start3A_379 = tpu.memref_slice %arg5[%dma_start3A_375, %dma_start3A_376, %dma_start3A_377, %dma_start3A_378] : memref<2x2x16x512xf32, #tpu.memory_space<vmem>> -> memref<1x2x16x512xf32, #tpu.memory_space<vmem>>
        %dma_start3A_380 = tpu.memref_squeeze %dma_start3A_379 : memref<1x2x16x512xf32, #tpu.memory_space<vmem>> -> memref<2x16x512xf32, #tpu.memory_space<vmem>>
        %dma_start3A_381 = arith.constant 0 : i32
        %dma_start3A_382 = arith.constant 0 : i32
        %dma_start3A_383 = tpu.memref_slice %arg2[%select_n3A_358, %dma_start3A_381, %select_n3A_374, %dma_start3A_382] : memref<16x2x512x512xf32, #tpu.memory_space<hbm>> -> memref<1x2x16x512xf32, #tpu.memory_space<hbm>>
        %dma_start3A_384 = tpu.memref_squeeze %dma_start3A_383 : memref<1x2x16x512xf32, #tpu.memory_space<hbm>> -> memref<2x16x512xf32, #tpu.memory_space<hbm>>
        %dma_start3A_385 = arith.constant 0 : i32
        %dma_start3A_386 = arith.constant 0 : i32
        %dma_start3A_387 = arith.constant 0 : i32
        %dma_start3A_388 = tpu.memref_slice %arg5[%dma_start3A_375, %dma_start3A_385, %dma_start3A_386, %dma_start3A_387] : memref<2x2x16x512xf32, #tpu.memory_space<vmem>> -> memref<1x2x16x512xf32, #tpu.memory_space<vmem>>
        %dma_start3A_389 = tpu.memref_squeeze %dma_start3A_388 : memref<1x2x16x512xf32, #tpu.memory_space<vmem>> -> memref<2x16x512xf32, #tpu.memory_space<vmem>>
        %dma_start3A_390 = arith.constant 0 : i32
        %dma_start3A_391 = arith.constant 0 : i32
        %dma_start3A_392 = tpu.memref_slice %arg2[%select_n3A_358, %dma_start3A_390, %select_n3A_374, %dma_start3A_391] : memref<16x2x512x512xf32, #tpu.memory_space<hbm>> -> memref<1x2x16x512xf32, #tpu.memory_space<hbm>>
        %dma_start3A_393 = tpu.memref_squeeze %dma_start3A_392 : memref<1x2x16x512xf32, #tpu.memory_space<hbm>> -> memref<2x16x512xf32, #tpu.memory_space<hbm>>
        tpu.enqueue_dma source(%dma_start3A_393 : memref<2x16x512xf32, #tpu.memory_space<hbm>>) target(%dma_start3A_389 : memref<2x16x512xf32, #tpu.memory_space<vmem>>) target_semaphore(%arg8 : memref<!tpu.dma_semaphore, #tpu.memory_space<semaphore_mem>>)
        %dma_start3A_394 = arith.constant 0 : i32
        %dma_start3A_395 = arith.constant 0 : i32
        %dma_start3A_396 = arith.constant 0 : i32
        %dma_start3A_397 = tpu.memref_slice %arg6[%dma_start3A_394, %dma_start3A_395, %dma_start3A_396] : memref<2x16x512xi32, #tpu.memory_space<vmem>> -> memref<1x16x512xi32, #tpu.memory_space<vmem>>
        %dma_start3A_398 = tpu.memref_squeeze %dma_start3A_397 : memref<1x16x512xi32, #tpu.memory_space<vmem>> -> memref<16x512xi32, #tpu.memory_space<vmem>>
        %dma_start3A_399 = arith.constant 0 : i32
        %dma_start3A_400 = tpu.memref_slice %arg3[%select_n3A_358, %select_n3A_374, %dma_start3A_399] : memref<16x512x512xi32, #tpu.memory_space<hbm>> -> memref<1x16x512xi32, #tpu.memory_space<hbm>>
        %dma_start3A_401 = tpu.memref_squeeze %dma_start3A_400 : memref<1x16x512xi32, #tpu.memory_space<hbm>> -> memref<16x512xi32, #tpu.memory_space<hbm>>
        %dma_start3A_402 = arith.constant 0 : i32
        %dma_start3A_403 = arith.constant 0 : i32
        %dma_start3A_404 = tpu.memref_slice %arg6[%dma_start3A_394, %dma_start3A_402, %dma_start3A_403] : memref<2x16x512xi32, #tpu.memory_space<vmem>> -> memref<1x16x512xi32, #tpu.memory_space<vmem>>
        %dma_start3A_405 = tpu.memref_squeeze %dma_start3A_404 : memref<1x16x512xi32, #tpu.memory_space<vmem>> -> memref<16x512xi32, #tpu.memory_space<vmem>>
        %dma_start3A_406 = arith.constant 0 : i32
        %dma_start3A_407 = tpu.memref_slice %arg3[%select_n3A_358, %select_n3A_374, %dma_start3A_406] : memref<16x512x512xi32, #tpu.memory_space<hbm>> -> memref<1x16x512xi32, #tpu.memory_space<hbm>>
        %dma_start3A_408 = tpu.memref_squeeze %dma_start3A_407 : memref<1x16x512xi32, #tpu.memory_space<hbm>> -> memref<16x512xi32, #tpu.memory_space<hbm>>
        tpu.enqueue_dma source(%dma_start3A_408 : memref<16x512xi32, #tpu.memory_space<hbm>>) target(%dma_start3A_405 : memref<16x512xi32, #tpu.memory_space<vmem>>) target_semaphore(%arg9 : memref<!tpu.dma_semaphore, #tpu.memory_space<semaphore_mem>>)
      } else {
      }
      %scan3A_322 = arith.constant 0 : i32
      %scan3A_323 = arith.constant 64 : i32
      %scan3A_324 = arith.addi %scan3A_322, %scan3A_323 : i32
      %scan3A_325 = arith.constant 1 : i32
      %scan3A_326:3 = scf.for %scan3A_328 = %scan3A_322 to %scan3A_324 step %scan3A_325 iter_args(%scan3A_329 = %scan3A_273#0, %scan3A_330 = %scan3A_273#1, %scan3A_331 = %scan3A_273#2) -> (vector<16xf32>, vector<16xf32>, vector<16xf32>)  : i32 {
        %jit3A_332 = arith.constant 4 : i32
        %div3A_333 = arith.divsi %scan3A_328, %jit3A_332 : i32
        %sign3A_334 = arith.constant 0 : i32
        %sign3A_335 = arith.cmpi sgt, %scan3A_328, %sign3A_334 : i32
        %sign3A_336 = arith.extui %sign3A_335 : i1 to i32
        %sign3A_337 = arith.constant 0 : i32
        %sign3A_338 = arith.cmpi slt, %scan3A_328, %sign3A_337 : i32
        %sign3A_339 = arith.extui %sign3A_338 : i1 to i32
        %sign3A_340 = arith.subi %sign3A_336, %sign3A_339 : i32
        %sign3A_341 = arith.constant 0 : i32
        %sign3A_342 = arith.cmpi sgt, %jit3A_332, %sign3A_341 : i32
        %sign3A_343 = arith.extui %sign3A_342 : i1 to i32
        %sign3A_344 = arith.constant 0 : i32
        %sign3A_345 = arith.cmpi slt, %jit3A_332, %sign3A_344 : i32
        %sign3A_346 = arith.extui %sign3A_345 : i1 to i32
        %sign3A_347 = arith.subi %sign3A_343, %sign3A_346 : i32
        %ne3A_348 = arith.cmpi ne, %sign3A_340, %sign3A_347 : i32
        %rem3A_349 = arith.remsi %scan3A_328, %jit3A_332 : i32
        %ne3A_350 = arith.constant 0 : i32
        %ne3A_351 = arith.cmpi ne, %rem3A_349, %ne3A_350 : i32
        %and3A_352 = arith.andi %ne3A_348, %ne3A_351 : i1
        %sub3A_353 = arith.constant 1 : i32
        %sub3A_354 = arith.subi %div3A_333, %sub3A_353 : i32
        %select_n3A_355 = arith.select %and3A_352, %sub3A_354, %div3A_333 : i32
        %jit3A_356 = arith.constant 4 : i32
        %eq3A_357 = arith.constant 0 : i32
        %eq3A_358 = arith.cmpi eq, %jit3A_356, %eq3A_357 : i32
        %jit3A_359 = arith.constant 1 : i32
        %select_n3A_360 = arith.select %eq3A_358, %jit3A_359, %jit3A_356 : i32
        %rem3A_361 = arith.remsi %scan3A_328, %select_n3A_360 : i32
        %ne3A_362 = arith.constant 0 : i32
        %ne3A_363 = arith.cmpi ne, %rem3A_361, %ne3A_362 : i32
        %lt3A_364 = arith.constant 0 : i32
        %lt3A_365 = arith.cmpi slt, %rem3A_361, %lt3A_364 : i32
        %lt3A_366 = arith.constant 0 : i32
        %lt3A_367 = arith.cmpi slt, %select_n3A_360, %lt3A_366 : i32
        %ne3A_368 = arith.xori %lt3A_365, %lt3A_367 : i1
        %and3A_369 = arith.andi %ne3A_368, %ne3A_363 : i1
        %add3A_370 = arith.addi %rem3A_361, %select_n3A_360 : i32
        %select_n3A_371 = arith.select %and3A_369, %add3A_370, %rem3A_361 : i32
        %mul3A_372 = arith.constant 128 : i32
        %mul3A_373 = arith.muli %select_n3A_371, %mul3A_372 : i32
        %add3A_374 = arith.constant 0 : i32
        %add3A_375 = arith.addi %mul3A_373, %add3A_374 : i32
        %get3A = arith.constant 1 : i32
        %get3A_376 = arith.constant 0 : i32
        %get3A_377 = arith.index_cast %get3A : i32 to index
        %get3A_378 = arith.index_cast %get3A_376 : i32 to index
        %get3A_379 = arith.index_cast %select_n3A_355 : i32 to index
        %get3A_380 = arith.index_cast %add3A_375 : i32 to index
        %get3A_381 = tpu.vector_load %arg5[%get3A_377, %get3A_378, %get3A_379, %get3A_380] {strides = array<i32>} : memref<2x2x16x512xf32, #tpu.memory_space<vmem>>, vector<1x1x1x16xf32>,
        %get3A_382 = vector.shape_cast %get3A_381 : vector<1x1x1x16xf32> to vector<16xf32>
        %get3A_383 = arith.constant 1 : i32
        %get3A_384 = arith.constant 1 : i32
        %get3A_385 = arith.index_cast %get3A_383 : i32 to index
        %get3A_386 = arith.index_cast %get3A_384 : i32 to index
        %get3A_387 = arith.index_cast %select_n3A_355 : i32 to index
        %get3A_388 = arith.index_cast %add3A_375 : i32 to index
        %get3A_389 = tpu.vector_load %arg5[%get3A_385, %get3A_386, %get3A_387, %get3A_388] {strides = array<i32>} : memref<2x2x16x512xf32, #tpu.memory_space<vmem>>, vector<1x1x1x16xf32>,
        %get3A_390 = vector.shape_cast %get3A_389 : vector<1x1x1x16xf32> to vector<16xf32>
        %get3A_391 = arith.constant 1 : i32
        %get3A_392 = arith.index_cast %get3A_391 : i32 to index
        %get3A_393 = arith.index_cast %select_n3A_355 : i32 to index
        %get3A_394 = arith.index_cast %add3A_375 : i32 to index
        %get3A_395 = tpu.vector_load %arg6[%get3A_392, %get3A_393, %get3A_394] {strides = array<i32>} : memref<2x16x512xi32, #tpu.memory_space<vmem>>, vector<1x1x16xi32>,
        %get3A_396 = vector.shape_cast %get3A_395 : vector<1x1x16xi32> to vector<16xi32>
        %sub3A_397 = arith.subf %get3A_390, %get3A_382 : vector<16xf32>
        %exp3A = math.exp %sub3A_397 : vector<16xf32>
        %add3A_398 = arith.constant 1.000000e+00 : f32
        %add3A_399 = vector.broadcast %add3A_398 : f32 to vector<16xf32>
        %add3A_400 = arith.addf %add3A_399, %exp3A : vector<16xf32>
        %div3A_401 = arith.constant 1.000000e+00 : f32
        %div3A_402 = vector.broadcast %div3A_401 : f32 to vector<16xf32>
        %div3A_403 = arith.divf %div3A_402, %add3A_400 : vector<16xf32>
        %sub3A_404 = arith.constant 5.000000e-01 : f32
        %sub3A_405 = vector.broadcast %sub3A_404 : f32 to vector<16xf32>
        %sub3A_406 = arith.subf %div3A_403, %sub3A_405 : vector<16xf32>
        %convert_element_type3A_407 = arith.sitofp %get3A_396 : vector<16xi32> to vector<16xf32>
        %add3A_408 = arith.addf %scan3A_329, %sub3A_406 : vector<16xf32>
        %mul3A_409 = arith.mulf %convert_element_type3A_407, %sub3A_406 : vector<16xf32>
        %add3A_410 = arith.addf %scan3A_330, %mul3A_409 : vector<16xf32>
        %add3A_411 = arith.addf %scan3A_331, %convert_element_type3A_407 : vector<16xf32>
        %add3A_412 = arith.constant 16 : i32
        %add3A_413 = arith.addi %mul3A_373, %add3A_412 : i32
        %get3A_414 = arith.constant 1 : i32
        %get3A_415 = arith.constant 0 : i32
        %get3A_416 = arith.index_cast %get3A_414 : i32 to index
        %get3A_417 = arith.index_cast %get3A_415 : i32 to index
        %get3A_418 = arith.index_cast %select_n3A_355 : i32 to index
        %get3A_419 = arith.index_cast %add3A_413 : i32 to index
        %get3A_420 = tpu.vector_load %arg5[%get3A_416, %get3A_417, %get3A_418, %get3A_419] {strides = array<i32>} : memref<2x2x16x512xf32, #tpu.memory_space<vmem>>, vector<1x1x1x16xf32>,
        %get3A_421 = vector.shape_cast %get3A_420 : vector<1x1x1x16xf32> to vector<16xf32>
        %get3A_422 = arith.constant 1 : i32
        %get3A_423 = arith.constant 1 : i32
        %get3A_424 = arith.index_cast %get3A_422 : i32 to index
        %get3A_425 = arith.index_cast %get3A_423 : i32 to index
        %get3A_426 = arith.index_cast %select_n3A_355 : i32 to index
        %get3A_427 = arith.index_cast %add3A_413 : i32 to index
        %get3A_428 = tpu.vector_load %arg5[%get3A_424, %get3A_425, %get3A_426, %get3A_427] {strides = array<i32>} : memref<2x2x16x512xf32, #tpu.memory_space<vmem>>, vector<1x1x1x16xf32>,
        %get3A_429 = vector.shape_cast %get3A_428 : vector<1x1x1x16xf32> to vector<16xf32>
        %get3A_430 = arith.constant 1 : i32
        %get3A_431 = arith.index_cast %get3A_430 : i32 to index
        %get3A_432 = arith.index_cast %select_n3A_355 : i32 to index
        %get3A_433 = arith.index_cast %add3A_413 : i32 to index
        %get3A_434 = tpu.vector_load %arg6[%get3A_431, %get3A_432, %get3A_433] {strides = array<i32>} : memref<2x16x512xi32, #tpu.memory_space<vmem>>, vector<1x1x16xi32>,
        %get3A_435 = vector.shape_cast %get3A_434 : vector<1x1x16xi32> to vector<16xi32>
        %sub3A_436 = arith.subf %get3A_429, %get3A_421 : vector<16xf32>
        %exp3A_437 = math.exp %sub3A_436 : vector<16xf32>
        %add3A_438 = arith.constant 1.000000e+00 : f32
        %add3A_439 = vector.broadcast %add3A_438 : f32 to vector<16xf32>
        %add3A_440 = arith.addf %add3A_439, %exp3A_437 : vector<16xf32>
        %div3A_441 = arith.constant 1.000000e+00 : f32
        %div3A_442 = vector.broadcast %div3A_441 : f32 to vector<16xf32>
        %div3A_443 = arith.divf %div3A_442, %add3A_440 : vector<16xf32>
        %sub3A_444 = arith.constant 5.000000e-01 : f32
        %sub3A_445 = vector.broadcast %sub3A_444 : f32 to vector<16xf32>
        %sub3A_446 = arith.subf %div3A_443, %sub3A_445 : vector<16xf32>
        %convert_element_type3A_447 = arith.sitofp %get3A_435 : vector<16xi32> to vector<16xf32>
        %add3A_448 = arith.addf %add3A_408, %sub3A_446 : vector<16xf32>
        %mul3A_449 = arith.mulf %convert_element_type3A_447, %sub3A_446 : vector<16xf32>
        %add3A_450 = arith.addf %add3A_410, %mul3A_449 : vector<16xf32>
        %add3A_451 = arith.addf %add3A_411, %convert_element_type3A_447 : vector<16xf32>
        %add3A_452 = arith.constant 32 : i32
        %add3A_453 = arith.addi %mul3A_373, %add3A_452 : i32
        %get3A_454 = arith.constant 1 : i32
        %get3A_455 = arith.constant 0 : i32
        %get3A_456 = arith.index_cast %get3A_454 : i32 to index
        %get3A_457 = arith.index_cast %get3A_455 : i32 to index
        %get3A_458 = arith.index_cast %select_n3A_355 : i32 to index
        %get3A_459 = arith.index_cast %add3A_453 : i32 to index
        %get3A_460 = tpu.vector_load %arg5[%get3A_456, %get3A_457, %get3A_458, %get3A_459] {strides = array<i32>} : memref<2x2x16x512xf32, #tpu.memory_space<vmem>>, vector<1x1x1x16xf32>,
        %get3A_461 = vector.shape_cast %get3A_460 : vector<1x1x1x16xf32> to vector<16xf32>
        %get3A_462 = arith.constant 1 : i32
        %get3A_463 = arith.constant 1 : i32
        %get3A_464 = arith.index_cast %get3A_462 : i32 to index
        %get3A_465 = arith.index_cast %get3A_463 : i32 to index
        %get3A_466 = arith.index_cast %select_n3A_355 : i32 to index
        %get3A_467 = arith.index_cast %add3A_453 : i32 to index
        %get3A_468 = tpu.vector_load %arg5[%get3A_464, %get3A_465, %get3A_466, %get3A_467] {strides = array<i32>} : memref<2x2x16x512xf32, #tpu.memory_space<vmem>>, vector<1x1x1x16xf32>,
        %get3A_469 = vector.shape_cast %get3A_468 : vector<1x1x1x16xf32> to vector<16xf32>
        %get3A_470 = arith.constant 1 : i32
        %get3A_471 = arith.index_cast %get3A_470 : i32 to index
        %get3A_472 = arith.index_cast %select_n3A_355 : i32 to index
        %get3A_473 = arith.index_cast %add3A_453 : i32 to index
        %get3A_474 = tpu.vector_load %arg6[%get3A_471, %get3A_472, %get3A_473] {strides = array<i32>} : memref<2x16x512xi32, #tpu.memory_space<vmem>>, vector<1x1x16xi32>,
        %get3A_475 = vector.shape_cast %get3A_474 : vector<1x1x16xi32> to vector<16xi32>
        %sub3A_476 = arith.subf %get3A_469, %get3A_461 : vector<16xf32>
        %exp3A_477 = math.exp %sub3A_476 : vector<16xf32>
        %add3A_478 = arith.constant 1.000000e+00 : f32
        %add3A_479 = vector.broadcast %add3A_478 : f32 to vector<16xf32>
        %add3A_480 = arith.addf %add3A_479, %exp3A_477 : vector<16xf32>
        %div3A_481 = arith.constant 1.000000e+00 : f32
        %div3A_482 = vector.broadcast %div3A_481 : f32 to vector<16xf32>
        %div3A_483 = arith.divf %div3A_482, %add3A_480 : vector<16xf32>
        %sub3A_484 = arith.constant 5.000000e-01 : f32
        %sub3A_485 = vector.broadcast %sub3A_484 : f32 to vector<16xf32>
        %sub3A_486 = arith.subf %div3A_483, %sub3A_485 : vector<16xf32>
        %convert_element_type3A_487 = arith.sitofp %get3A_475 : vector<16xi32> to vector<16xf32>
        %add3A_488 = arith.addf %add3A_448, %sub3A_486 : vector<16xf32>
        %mul3A_489 = arith.mulf %convert_element_type3A_487, %sub3A_486 : vector<16xf32>
        %add3A_490 = arith.addf %add3A_450, %mul3A_489 : vector<16xf32>
        %add3A_491 = arith.addf %add3A_451, %convert_element_type3A_487 : vector<16xf32>
        %add3A_492 = arith.constant 48 : i32
        %add3A_493 = arith.addi %mul3A_373, %add3A_492 : i32
        %get3A_494 = arith.constant 1 : i32
        %get3A_495 = arith.constant 0 : i32
        %get3A_496 = arith.index_cast %get3A_494 : i32 to index
        %get3A_497 = arith.index_cast %get3A_495 : i32 to index
        %get3A_498 = arith.index_cast %select_n3A_355 : i32 to index
        %get3A_499 = arith.index_cast %add3A_493 : i32 to index
        %get3A_500 = tpu.vector_load %arg5[%get3A_496, %get3A_497, %get3A_498, %get3A_499] {strides = array<i32>} : memref<2x2x16x512xf32, #tpu.memory_space<vmem>>, vector<1x1x1x16xf32>,
        %get3A_501 = vector.shape_cast %get3A_500 : vector<1x1x1x16xf32> to vector<16xf32>
        %get3A_502 = arith.constant 1 : i32
        %get3A_503 = arith.constant 1 : i32
        %get3A_504 = arith.index_cast %get3A_502 : i32 to index
        %get3A_505 = arith.index_cast %get3A_503 : i32 to index
        %get3A_506 = arith.index_cast %select_n3A_355 : i32 to index
        %get3A_507 = arith.index_cast %add3A_493 : i32 to index
        %get3A_508 = tpu.vector_load %arg5[%get3A_504, %get3A_505, %get3A_506, %get3A_507] {strides = array<i32>} : memref<2x2x16x512xf32, #tpu.memory_space<vmem>>, vector<1x1x1x16xf32>,
        %get3A_509 = vector.shape_cast %get3A_508 : vector<1x1x1x16xf32> to vector<16xf32>
        %get3A_510 = arith.constant 1 : i32
        %get3A_511 = arith.index_cast %get3A_510 : i32 to index
        %get3A_512 = arith.index_cast %select_n3A_355 : i32 to index
        %get3A_513 = arith.index_cast %add3A_493 : i32 to index
        %get3A_514 = tpu.vector_load %arg6[%get3A_511, %get3A_512, %get3A_513] {strides = array<i32>} : memref<2x16x512xi32, #tpu.memory_space<vmem>>, vector<1x1x16xi32>,
        %get3A_515 = vector.shape_cast %get3A_514 : vector<1x1x16xi32> to vector<16xi32>
        %sub3A_516 = arith.subf %get3A_509, %get3A_501 : vector<16xf32>
        %exp3A_517 = math.exp %sub3A_516 : vector<16xf32>
        %add3A_518 = arith.constant 1.000000e+00 : f32
        %add3A_519 = vector.broadcast %add3A_518 : f32 to vector<16xf32>
        %add3A_520 = arith.addf %add3A_519, %exp3A_517 : vector<16xf32>
        %div3A_521 = arith.constant 1.000000e+00 : f32
        %div3A_522 = vector.broadcast %div3A_521 : f32 to vector<16xf32>
        %div3A_523 = arith.divf %div3A_522, %add3A_520 : vector<16xf32>
        %sub3A_524 = arith.constant 5.000000e-01 : f32
        %sub3A_525 = vector.broadcast %sub3A_524 : f32 to vector<16xf32>
        %sub3A_526 = arith.subf %div3A_523, %sub3A_525 : vector<16xf32>
        %convert_element_type3A_527 = arith.sitofp %get3A_515 : vector<16xi32> to vector<16xf32>
        %add3A_528 = arith.addf %add3A_488, %sub3A_526 : vector<16xf32>
        %mul3A_529 = arith.mulf %convert_element_type3A_527, %sub3A_526 : vector<16xf32>
        %add3A_530 = arith.addf %add3A_490, %mul3A_529 : vector<16xf32>
        %add3A_531 = arith.addf %add3A_491, %convert_element_type3A_527 : vector<16xf32>
        %add3A_532 = arith.constant 64 : i32
        %add3A_533 = arith.addi %mul3A_373, %add3A_532 : i32
        %get3A_534 = arith.constant 1 : i32
        %get3A_535 = arith.constant 0 : i32
        %get3A_536 = arith.index_cast %get3A_534 : i32 to index
        %get3A_537 = arith.index_cast %get3A_535 : i32 to index
        %get3A_538 = arith.index_cast %select_n3A_355 : i32 to index
        %get3A_539 = arith.index_cast %add3A_533 : i32 to index
        %get3A_540 = tpu.vector_load %arg5[%get3A_536, %get3A_537, %get3A_538, %get3A_539] {strides = array<i32>} : memref<2x2x16x512xf32, #tpu.memory_space<vmem>>, vector<1x1x1x16xf32>,
        %get3A_541 = vector.shape_cast %get3A_540 : vector<1x1x1x16xf32> to vector<16xf32>
        %get3A_542 = arith.constant 1 : i32
        %get3A_543 = arith.constant 1 : i32
        %get3A_544 = arith.index_cast %get3A_542 : i32 to index
        %get3A_545 = arith.index_cast %get3A_543 : i32 to index
        %get3A_546 = arith.index_cast %select_n3A_355 : i32 to index
        %get3A_547 = arith.index_cast %add3A_533 : i32 to index
        %get3A_548 = tpu.vector_load %arg5[%get3A_544, %get3A_545, %get3A_546, %get3A_547] {strides = array<i32>} : memref<2x2x16x512xf32, #tpu.memory_space<vmem>>, vector<1x1x1x16xf32>,
        %get3A_549 = vector.shape_cast %get3A_548 : vector<1x1x1x16xf32> to vector<16xf32>
        %get3A_550 = arith.constant 1 : i32
        %get3A_551 = arith.index_cast %get3A_550 : i32 to index
        %get3A_552 = arith.index_cast %select_n3A_355 : i32 to index
        %get3A_553 = arith.index_cast %add3A_533 : i32 to index
        %get3A_554 = tpu.vector_load %arg6[%get3A_551, %get3A_552, %get3A_553] {strides = array<i32>} : memref<2x16x512xi32, #tpu.memory_space<vmem>>, vector<1x1x16xi32>,
        %get3A_555 = vector.shape_cast %get3A_554 : vector<1x1x16xi32> to vector<16xi32>
        %sub3A_556 = arith.subf %get3A_549, %get3A_541 : vector<16xf32>
        %exp3A_557 = math.exp %sub3A_556 : vector<16xf32>
        %add3A_558 = arith.constant 1.000000e+00 : f32
        %add3A_559 = vector.broadcast %add3A_558 : f32 to vector<16xf32>
        %add3A_560 = arith.addf %add3A_559, %exp3A_557 : vector<16xf32>
        %div3A_561 = arith.constant 1.000000e+00 : f32
        %div3A_562 = vector.broadcast %div3A_561 : f32 to vector<16xf32>
        %div3A_563 = arith.divf %div3A_562, %add3A_560 : vector<16xf32>
        %sub3A_564 = arith.constant 5.000000e-01 : f32
        %sub3A_565 = vector.broadcast %sub3A_564 : f32 to vector<16xf32>
        %sub3A_566 = arith.subf %div3A_563, %sub3A_565 : vector<16xf32>
        %convert_element_type3A_567 = arith.sitofp %get3A_555 : vector<16xi32> to vector<16xf32>
        %add3A_568 = arith.addf %add3A_528, %sub3A_566 : vector<16xf32>
        %mul3A_569 = arith.mulf %convert_element_type3A_567, %sub3A_566 : vector<16xf32>
        %add3A_570 = arith.addf %add3A_530, %mul3A_569 : vector<16xf32>
        %add3A_571 = arith.addf %add3A_531, %convert_element_type3A_567 : vector<16xf32>
        %add3A_572 = arith.constant 80 : i32
        %add3A_573 = arith.addi %mul3A_373, %add3A_572 : i32
        %get3A_574 = arith.constant 1 : i32
        %get3A_575 = arith.constant 0 : i32
        %get3A_576 = arith.index_cast %get3A_574 : i32 to index
        %get3A_577 = arith.index_cast %get3A_575 : i32 to index
        %get3A_578 = arith.index_cast %select_n3A_355 : i32 to index
        %get3A_579 = arith.index_cast %add3A_573 : i32 to index
        %get3A_580 = tpu.vector_load %arg5[%get3A_576, %get3A_577, %get3A_578, %get3A_579] {strides = array<i32>} : memref<2x2x16x512xf32, #tpu.memory_space<vmem>>, vector<1x1x1x16xf32>,
        %get3A_581 = vector.shape_cast %get3A_580 : vector<1x1x1x16xf32> to vector<16xf32>
        %get3A_582 = arith.constant 1 : i32
        %get3A_583 = arith.constant 1 : i32
        %get3A_584 = arith.index_cast %get3A_582 : i32 to index
        %get3A_585 = arith.index_cast %get3A_583 : i32 to index
        %get3A_586 = arith.index_cast %select_n3A_355 : i32 to index
        %get3A_587 = arith.index_cast %add3A_573 : i32 to index
        %get3A_588 = tpu.vector_load %arg5[%get3A_584, %get3A_585, %get3A_586, %get3A_587] {strides = array<i32>} : memref<2x2x16x512xf32, #tpu.memory_space<vmem>>, vector<1x1x1x16xf32>,
        %get3A_589 = vector.shape_cast %get3A_588 : vector<1x1x1x16xf32> to vector<16xf32>
        %get3A_590 = arith.constant 1 : i32
        %get3A_591 = arith.index_cast %get3A_590 : i32 to index
        %get3A_592 = arith.index_cast %select_n3A_355 : i32 to index
        %get3A_593 = arith.index_cast %add3A_573 : i32 to index
        %get3A_594 = tpu.vector_load %arg6[%get3A_591, %get3A_592, %get3A_593] {strides = array<i32>} : memref<2x16x512xi32, #tpu.memory_space<vmem>>, vector<1x1x16xi32>,
        %get3A_595 = vector.shape_cast %get3A_594 : vector<1x1x16xi32> to vector<16xi32>
        %sub3A_596 = arith.subf %get3A_589, %get3A_581 : vector<16xf32>
        %exp3A_597 = math.exp %sub3A_596 : vector<16xf32>
        %add3A_598 = arith.constant 1.000000e+00 : f32
        %add3A_599 = vector.broadcast %add3A_598 : f32 to vector<16xf32>
        %add3A_600 = arith.addf %add3A_599, %exp3A_597 : vector<16xf32>
        %div3A_601 = arith.constant 1.000000e+00 : f32
        %div3A_602 = vector.broadcast %div3A_601 : f32 to vector<16xf32>
        %div3A_603 = arith.divf %div3A_602, %add3A_600 : vector<16xf32>
        %sub3A_604 = arith.constant 5.000000e-01 : f32
        %sub3A_605 = vector.broadcast %sub3A_604 : f32 to vector<16xf32>
        %sub3A_606 = arith.subf %div3A_603, %sub3A_605 : vector<16xf32>
        %convert_element_type3A_607 = arith.sitofp %get3A_595 : vector<16xi32> to vector<16xf32>
        %add3A_608 = arith.addf %add3A_568, %sub3A_606 : vector<16xf32>
        %mul3A_609 = arith.mulf %convert_element_type3A_607, %sub3A_606 : vector<16xf32>
        %add3A_610 = arith.addf %add3A_570, %mul3A_609 : vector<16xf32>
        %add3A_611 = arith.addf %add3A_571, %convert_element_type3A_607 : vector<16xf32>
        %add3A_612 = arith.constant 96 : i32
        %add3A_613 = arith.addi %mul3A_373, %add3A_612 : i32
        %get3A_614 = arith.constant 1 : i32
        %get3A_615 = arith.constant 0 : i32
        %get3A_616 = arith.index_cast %get3A_614 : i32 to index
        %get3A_617 = arith.index_cast %get3A_615 : i32 to index
        %get3A_618 = arith.index_cast %select_n3A_355 : i32 to index
        %get3A_619 = arith.index_cast %add3A_613 : i32 to index
        %get3A_620 = tpu.vector_load %arg5[%get3A_616, %get3A_617, %get3A_618, %get3A_619] {strides = array<i32>} : memref<2x2x16x512xf32, #tpu.memory_space<vmem>>, vector<1x1x1x16xf32>,
        %get3A_621 = vector.shape_cast %get3A_620 : vector<1x1x1x16xf32> to vector<16xf32>
        %get3A_622 = arith.constant 1 : i32
        %get3A_623 = arith.constant 1 : i32
        %get3A_624 = arith.index_cast %get3A_622 : i32 to index
        %get3A_625 = arith.index_cast %get3A_623 : i32 to index
        %get3A_626 = arith.index_cast %select_n3A_355 : i32 to index
        %get3A_627 = arith.index_cast %add3A_613 : i32 to index
        %get3A_628 = tpu.vector_load %arg5[%get3A_624, %get3A_625, %get3A_626, %get3A_627] {strides = array<i32>} : memref<2x2x16x512xf32, #tpu.memory_space<vmem>>, vector<1x1x1x16xf32>,
        %get3A_629 = vector.shape_cast %get3A_628 : vector<1x1x1x16xf32> to vector<16xf32>
        %get3A_630 = arith.constant 1 : i32
        %get3A_631 = arith.index_cast %get3A_630 : i32 to index
        %get3A_632 = arith.index_cast %select_n3A_355 : i32 to index
        %get3A_633 = arith.index_cast %add3A_613 : i32 to index
        %get3A_634 = tpu.vector_load %arg6[%get3A_631, %get3A_632, %get3A_633] {strides = array<i32>} : memref<2x16x512xi32, #tpu.memory_space<vmem>>, vector<1x1x16xi32>,
        %get3A_635 = vector.shape_cast %get3A_634 : vector<1x1x16xi32> to vector<16xi32>
        %sub3A_636 = arith.subf %get3A_629, %get3A_621 : vector<16xf32>
        %exp3A_637 = math.exp %sub3A_636 : vector<16xf32>
        %add3A_638 = arith.constant 1.000000e+00 : f32
        %add3A_639 = vector.broadcast %add3A_638 : f32 to vector<16xf32>
        %add3A_640 = arith.addf %add3A_639, %exp3A_637 : vector<16xf32>
        %div3A_641 = arith.constant 1.000000e+00 : f32
        %div3A_642 = vector.broadcast %div3A_641 : f32 to vector<16xf32>
        %div3A_643 = arith.divf %div3A_642, %add3A_640 : vector<16xf32>
        %sub3A_644 = arith.constant 5.000000e-01 : f32
        %sub3A_645 = vector.broadcast %sub3A_644 : f32 to vector<16xf32>
        %sub3A_646 = arith.subf %div3A_643, %sub3A_645 : vector<16xf32>
        %convert_element_type3A_647 = arith.sitofp %get3A_635 : vector<16xi32> to vector<16xf32>
        %add3A_648 = arith.addf %add3A_608, %sub3A_646 : vector<16xf32>
        %mul3A_649 = arith.mulf %convert_element_type3A_647, %sub3A_646 : vector<16xf32>
        %add3A_650 = arith.addf %add3A_610, %mul3A_649 : vector<16xf32>
        %add3A_651 = arith.addf %add3A_611, %convert_element_type3A_647 : vector<16xf32>
        %add3A_652 = arith.constant 112 : i32
        %add3A_653 = arith.addi %mul3A_373, %add3A_652 : i32
        %get3A_654 = arith.constant 1 : i32
        %get3A_655 = arith.constant 0 : i32
        %get3A_656 = arith.index_cast %get3A_654 : i32 to index
        %get3A_657 = arith.index_cast %get3A_655 : i32 to index
        %get3A_658 = arith.index_cast %select_n3A_355 : i32 to index
        %get3A_659 = arith.index_cast %add3A_653 : i32 to index
        %get3A_660 = tpu.vector_load %arg5[%get3A_656, %get3A_657, %get3A_658, %get3A_659] {strides = array<i32>} : memref<2x2x16x512xf32, #tpu.memory_space<vmem>>, vector<1x1x1x16xf32>,
        %get3A_661 = vector.shape_cast %get3A_660 : vector<1x1x1x16xf32> to vector<16xf32>
        %get3A_662 = arith.constant 1 : i32
        %get3A_663 = arith.constant 1 : i32
        %get3A_664 = arith.index_cast %get3A_662 : i32 to index
        %get3A_665 = arith.index_cast %get3A_663 : i32 to index
        %get3A_666 = arith.index_cast %select_n3A_355 : i32 to index
        %get3A_667 = arith.index_cast %add3A_653 : i32 to index
        %get3A_668 = tpu.vector_load %arg5[%get3A_664, %get3A_665, %get3A_666, %get3A_667] {strides = array<i32>} : memref<2x2x16x512xf32, #tpu.memory_space<vmem>>, vector<1x1x1x16xf32>,
        %get3A_669 = vector.shape_cast %get3A_668 : vector<1x1x1x16xf32> to vector<16xf32>
        %get3A_670 = arith.constant 1 : i32
        %get3A_671 = arith.index_cast %get3A_670 : i32 to index
        %get3A_672 = arith.index_cast %select_n3A_355 : i32 to index
        %get3A_673 = arith.index_cast %add3A_653 : i32 to index
        %get3A_674 = tpu.vector_load %arg6[%get3A_671, %get3A_672, %get3A_673] {strides = array<i32>} : memref<2x16x512xi32, #tpu.memory_space<vmem>>, vector<1x1x16xi32>,
        %get3A_675 = vector.shape_cast %get3A_674 : vector<1x1x16xi32> to vector<16xi32>
        %sub3A_676 = arith.subf %get3A_669, %get3A_661 : vector<16xf32>
        %exp3A_677 = math.exp %sub3A_676 : vector<16xf32>
        %add3A_678 = arith.constant 1.000000e+00 : f32
        %add3A_679 = vector.broadcast %add3A_678 : f32 to vector<16xf32>
        %add3A_680 = arith.addf %add3A_679, %exp3A_677 : vector<16xf32>
        %div3A_681 = arith.constant 1.000000e+00 : f32
        %div3A_682 = vector.broadcast %div3A_681 : f32 to vector<16xf32>
        %div3A_683 = arith.divf %div3A_682, %add3A_680 : vector<16xf32>
        %sub3A_684 = arith.constant 5.000000e-01 : f32
        %sub3A_685 = vector.broadcast %sub3A_684 : f32 to vector<16xf32>
        %sub3A_686 = arith.subf %div3A_683, %sub3A_685 : vector<16xf32>
        %convert_element_type3A_687 = arith.sitofp %get3A_675 : vector<16xi32> to vector<16xf32>
        %add3A_688 = arith.addf %add3A_648, %sub3A_686 : vector<16xf32>
        %mul3A_689 = arith.mulf %convert_element_type3A_687, %sub3A_686 : vector<16xf32>
        %add3A_690 = arith.addf %add3A_650, %mul3A_689 : vector<16xf32>
        %add3A_691 = arith.addf %add3A_651, %convert_element_type3A_687 : vector<16xf32>
        scf.yield %add3A_688, %add3A_690, %add3A_691 : vector<16xf32>, vector<16xf32>, vector<16xf32>
      }
      %scan3A_327 = arith.constant 64 : i32
      scf.yield %scan3A_326#0, %scan3A_326#1, %scan3A_326#2 : vector<16xf32>, vector<16xf32>, vector<16xf32>
    }
    %scan3A_73 = arith.constant 3 : i32
    %dma_wait3A = arith.constant 0 : i32
    %dma_wait3A_74 = arith.constant 0 : i32
    %dma_wait3A_75 = arith.constant 0 : i32
    %dma_wait3A_76 = arith.constant 0 : i32
    %dma_wait3A_77 = arith.constant 0 : i32
    %dma_wait3A_78 = tpu.memref_slice %arg5[%dma_wait3A_74, %dma_wait3A_75, %dma_wait3A_76, %dma_wait3A_77] : memref<2x2x16x512xf32, #tpu.memory_space<vmem>> -> memref<1x2x16x512xf32, #tpu.memory_space<vmem>>
    %dma_wait3A_79 = tpu.memref_squeeze %dma_wait3A_78 : memref<1x2x16x512xf32, #tpu.memory_space<vmem>> -> memref<2x16x512xf32, #tpu.memory_space<vmem>>
    %dma_wait3A_80 = arith.constant 0 : i32
    %dma_wait3A_81 = arith.constant 0 : i32
    %dma_wait3A_82 = arith.constant 0 : i32
    %dma_wait3A_83 = tpu.memref_slice %arg2[%dma_wait3A, %dma_wait3A_80, %dma_wait3A_81, %dma_wait3A_82] : memref<16x2x512x512xf32, #tpu.memory_space<hbm>> -> memref<1x2x16x512xf32, #tpu.memory_space<hbm>>
    %dma_wait3A_84 = tpu.memref_squeeze %dma_wait3A_83 : memref<1x2x16x512xf32, #tpu.memory_space<hbm>> -> memref<2x16x512xf32, #tpu.memory_space<hbm>>
    %dma_wait3A_85 = arith.constant 0 : i32
    %dma_wait3A_86 = arith.constant 0 : i32
    %dma_wait3A_87 = arith.constant 0 : i32
    %dma_wait3A_88 = tpu.memref_slice %arg5[%dma_wait3A_74, %dma_wait3A_85, %dma_wait3A_86, %dma_wait3A_87] : memref<2x2x16x512xf32, #tpu.memory_space<vmem>> -> memref<1x2x16x512xf32, #tpu.memory_space<vmem>>
    %dma_wait3A_89 = tpu.memref_squeeze %dma_wait3A_88 : memref<1x2x16x512xf32, #tpu.memory_space<vmem>> -> memref<2x16x512xf32, #tpu.memory_space<vmem>>
    %dma_wait3A_90 = arith.constant 0 : i32
    %dma_wait3A_91 = arith.constant 0 : i32
    %dma_wait3A_92 = arith.constant 0 : i32
    %dma_wait3A_93 = tpu.memref_slice %arg2[%dma_wait3A, %dma_wait3A_90, %dma_wait3A_91, %dma_wait3A_92] : memref<16x2x512x512xf32, #tpu.memory_space<hbm>> -> memref<1x2x16x512xf32, #tpu.memory_space<hbm>>
    %dma_wait3A_94 = tpu.memref_squeeze %dma_wait3A_93 : memref<1x2x16x512xf32, #tpu.memory_space<hbm>> -> memref<2x16x512xf32, #tpu.memory_space<hbm>>
    tpu.wait_dma2 semaphore(%arg8 : memref<!tpu.dma_semaphore, #tpu.memory_space<semaphore_mem>>) src(%dma_wait3A_94 : memref<2x16x512xf32, #tpu.memory_space<hbm>>) dst(%dma_wait3A_89 : memref<2x16x512xf32, #tpu.memory_space<vmem>>)
    %dma_wait3A_95 = arith.constant 0 : i32
    %dma_wait3A_96 = arith.constant 0 : i32
    %dma_wait3A_97 = arith.constant 0 : i32
    %dma_wait3A_98 = arith.constant 0 : i32
    %dma_wait3A_99 = tpu.memref_slice %arg6[%dma_wait3A_96, %dma_wait3A_97, %dma_wait3A_98] : memref<2x16x512xi32, #tpu.memory_space<vmem>> -> memref<1x16x512xi32, #tpu.memory_space<vmem>>
    %dma_wait3A_100 = tpu.memref_squeeze %dma_wait3A_99 : memref<1x16x512xi32, #tpu.memory_space<vmem>> -> memref<16x512xi32, #tpu.memory_space<vmem>>
    %dma_wait3A_101 = arith.constant 0 : i32
    %dma_wait3A_102 = arith.constant 0 : i32
    %dma_wait3A_103 = tpu.memref_slice %arg3[%dma_wait3A_95, %dma_wait3A_101, %dma_wait3A_102] : memref<16x512x512xi32, #tpu.memory_space<hbm>> -> memref<1x16x512xi32, #tpu.memory_space<hbm>>
    %dma_wait3A_104 = tpu.memref_squeeze %dma_wait3A_103 : memref<1x16x512xi32, #tpu.memory_space<hbm>> -> memref<16x512xi32, #tpu.memory_space<hbm>>
    %dma_wait3A_105 = arith.constant 0 : i32
    %dma_wait3A_106 = arith.constant 0 : i32
    %dma_wait3A_107 = tpu.memref_slice %arg6[%dma_wait3A_96, %dma_wait3A_105, %dma_wait3A_106] : memref<2x16x512xi32, #tpu.memory_space<vmem>> -> memref<1x16x512xi32, #tpu.memory_space<vmem>>
    %dma_wait3A_108 = tpu.memref_squeeze %dma_wait3A_107 : memref<1x16x512xi32, #tpu.memory_space<vmem>> -> memref<16x512xi32, #tpu.memory_space<vmem>>
    %dma_wait3A_109 = arith.constant 0 : i32
    %dma_wait3A_110 = arith.constant 0 : i32
    %dma_wait3A_111 = tpu.memref_slice %arg3[%dma_wait3A_95, %dma_wait3A_109, %dma_wait3A_110] : memref<16x512x512xi32, #tpu.memory_space<hbm>> -> memref<1x16x512xi32, #tpu.memory_space<hbm>>
    %dma_wait3A_112 = tpu.memref_squeeze %dma_wait3A_111 : memref<1x16x512xi32, #tpu.memory_space<hbm>> -> memref<16x512xi32, #tpu.memory_space<hbm>>
    tpu.wait_dma2 semaphore(%arg9 : memref<!tpu.dma_semaphore, #tpu.memory_space<semaphore_mem>>) src(%dma_wait3A_112 : memref<16x512xi32, #tpu.memory_space<hbm>>) dst(%dma_wait3A_108 : memref<16x512xi32, #tpu.memory_space<vmem>>)
    %scan3A_113 = arith.constant 0 : i32
    %scan3A_114 = arith.constant 64 : i32
    %scan3A_115 = arith.addi %scan3A_113, %scan3A_114 : i32
    %scan3A_116 = arith.constant 1 : i32
    %scan3A_117:3 = scf.for %scan3A_144 = %scan3A_113 to %scan3A_115 step %scan3A_116 iter_args(%scan3A_145 = %scan3A_72#0, %scan3A_146 = %scan3A_72#1, %scan3A_147 = %scan3A_72#2) -> (vector<16xf32>, vector<16xf32>, vector<16xf32>)  : i32 {
      %jit3A_148 = arith.constant 4 : i32
      %div3A_149 = arith.divsi %scan3A_144, %jit3A_148 : i32
      %sign3A_150 = arith.constant 0 : i32
      %sign3A_151 = arith.cmpi sgt, %scan3A_144, %sign3A_150 : i32
      %sign3A_152 = arith.extui %sign3A_151 : i1 to i32
      %sign3A_153 = arith.constant 0 : i32
      %sign3A_154 = arith.cmpi slt, %scan3A_144, %sign3A_153 : i32
      %sign3A_155 = arith.extui %sign3A_154 : i1 to i32
      %sign3A_156 = arith.subi %sign3A_152, %sign3A_155 : i32
      %sign3A_157 = arith.constant 0 : i32
      %sign3A_158 = arith.cmpi sgt, %jit3A_148, %sign3A_157 : i32
      %sign3A_159 = arith.extui %sign3A_158 : i1 to i32
      %sign3A_160 = arith.constant 0 : i32
      %sign3A_161 = arith.cmpi slt, %jit3A_148, %sign3A_160 : i32
      %sign3A_162 = arith.extui %sign3A_161 : i1 to i32
      %sign3A_163 = arith.subi %sign3A_159, %sign3A_162 : i32
      %ne3A_164 = arith.cmpi ne, %sign3A_156, %sign3A_163 : i32
      %rem3A_165 = arith.remsi %scan3A_144, %jit3A_148 : i32
      %ne3A_166 = arith.constant 0 : i32
      %ne3A_167 = arith.cmpi ne, %rem3A_165, %ne3A_166 : i32
      %and3A_168 = arith.andi %ne3A_164, %ne3A_167 : i1
      %sub3A_169 = arith.constant 1 : i32
      %sub3A_170 = arith.subi %div3A_149, %sub3A_169 : i32
      %select_n3A_171 = arith.select %and3A_168, %sub3A_170, %div3A_149 : i32
      %jit3A_172 = arith.constant 4 : i32
      %eq3A_173 = arith.constant 0 : i32
      %eq3A_174 = arith.cmpi eq, %jit3A_172, %eq3A_173 : i32
      %jit3A_175 = arith.constant 1 : i32
      %select_n3A_176 = arith.select %eq3A_174, %jit3A_175, %jit3A_172 : i32
      %rem3A_177 = arith.remsi %scan3A_144, %select_n3A_176 : i32
      %ne3A_178 = arith.constant 0 : i32
      %ne3A_179 = arith.cmpi ne, %rem3A_177, %ne3A_178 : i32
      %lt3A_180 = arith.constant 0 : i32
      %lt3A_181 = arith.cmpi slt, %rem3A_177, %lt3A_180 : i32
      %lt3A_182 = arith.constant 0 : i32
      %lt3A_183 = arith.cmpi slt, %select_n3A_176, %lt3A_182 : i32
      %ne3A_184 = arith.xori %lt3A_181, %lt3A_183 : i1
      %and3A_185 = arith.andi %ne3A_184, %ne3A_179 : i1
      %add3A_186 = arith.addi %rem3A_177, %select_n3A_176 : i32
      %select_n3A_187 = arith.select %and3A_185, %add3A_186, %rem3A_177 : i32
      %mul3A_188 = arith.constant 128 : i32
      %mul3A_189 = arith.muli %select_n3A_187, %mul3A_188 : i32
      %add3A_190 = arith.constant 0 : i32
      %add3A_191 = arith.addi %mul3A_189, %add3A_190 : i32
      %get3A = arith.constant 0 : i32
      %get3A_192 = arith.constant 0 : i32
      %get3A_193 = arith.index_cast %get3A : i32 to index
      %get3A_194 = arith.index_cast %get3A_192 : i32 to index
      %get3A_195 = arith.index_cast %select_n3A_171 : i32 to index
      %get3A_196 = arith.index_cast %add3A_191 : i32 to index
      %get3A_197 = tpu.vector_load %arg5[%get3A_193, %get3A_194, %get3A_195, %get3A_196] {strides = array<i32>} : memref<2x2x16x512xf32, #tpu.memory_space<vmem>>, vector<1x1x1x16xf32>,
      %get3A_198 = vector.shape_cast %get3A_197 : vector<1x1x1x16xf32> to vector<16xf32>
      %get3A_199 = arith.constant 0 : i32
      %get3A_200 = arith.constant 1 : i32
      %get3A_201 = arith.index_cast %get3A_199 : i32 to index
      %get3A_202 = arith.index_cast %get3A_200 : i32 to index
      %get3A_203 = arith.index_cast %select_n3A_171 : i32 to index
      %get3A_204 = arith.index_cast %add3A_191 : i32 to index
      %get3A_205 = tpu.vector_load %arg5[%get3A_201, %get3A_202, %get3A_203, %get3A_204] {strides = array<i32>} : memref<2x2x16x512xf32, #tpu.memory_space<vmem>>, vector<1x1x1x16xf32>,
      %get3A_206 = vector.shape_cast %get3A_205 : vector<1x1x1x16xf32> to vector<16xf32>
      %get3A_207 = arith.constant 0 : i32
      %get3A_208 = arith.index_cast %get3A_207 : i32 to index
      %get3A_209 = arith.index_cast %select_n3A_171 : i32 to index
      %get3A_210 = arith.index_cast %add3A_191 : i32 to index
      %get3A_211 = tpu.vector_load %arg6[%get3A_208, %get3A_209, %get3A_210] {strides = array<i32>} : memref<2x16x512xi32, #tpu.memory_space<vmem>>, vector<1x1x16xi32>,
      %get3A_212 = vector.shape_cast %get3A_211 : vector<1x1x16xi32> to vector<16xi32>
      %sub3A_213 = arith.subf %get3A_206, %get3A_198 : vector<16xf32>
      %exp3A = math.exp %sub3A_213 : vector<16xf32>
      %add3A_214 = arith.constant 1.000000e+00 : f32
      %add3A_215 = vector.broadcast %add3A_214 : f32 to vector<16xf32>
      %add3A_216 = arith.addf %add3A_215, %exp3A : vector<16xf32>
      %div3A_217 = arith.constant 1.000000e+00 : f32
      %div3A_218 = vector.broadcast %div3A_217 : f32 to vector<16xf32>
      %div3A_219 = arith.divf %div3A_218, %add3A_216 : vector<16xf32>
      %sub3A_220 = arith.constant 5.000000e-01 : f32
      %sub3A_221 = vector.broadcast %sub3A_220 : f32 to vector<16xf32>
      %sub3A_222 = arith.subf %div3A_219, %sub3A_221 : vector<16xf32>
      %convert_element_type3A = arith.sitofp %get3A_212 : vector<16xi32> to vector<16xf32>
      %add3A_223 = arith.addf %scan3A_145, %sub3A_222 : vector<16xf32>
      %mul3A_224 = arith.mulf %convert_element_type3A, %sub3A_222 : vector<16xf32>
      %add3A_225 = arith.addf %scan3A_146, %mul3A_224 : vector<16xf32>
      %add3A_226 = arith.addf %scan3A_147, %convert_element_type3A : vector<16xf32>
      %add3A_227 = arith.constant 16 : i32
      %add3A_228 = arith.addi %mul3A_189, %add3A_227 : i32
      %get3A_229 = arith.constant 0 : i32
      %get3A_230 = arith.constant 0 : i32
      %get3A_231 = arith.index_cast %get3A_229 : i32 to index
      %get3A_232 = arith.index_cast %get3A_230 : i32 to index
      %get3A_233 = arith.index_cast %select_n3A_171 : i32 to index
      %get3A_234 = arith.index_cast %add3A_228 : i32 to index
      %get3A_235 = tpu.vector_load %arg5[%get3A_231, %get3A_232, %get3A_233, %get3A_234] {strides = array<i32>} : memref<2x2x16x512xf32, #tpu.memory_space<vmem>>, vector<1x1x1x16xf32>,
      %get3A_236 = vector.shape_cast %get3A_235 : vector<1x1x1x16xf32> to vector<16xf32>
      %get3A_237 = arith.constant 0 : i32
      %get3A_238 = arith.constant 1 : i32
      %get3A_239 = arith.index_cast %get3A_237 : i32 to index
      %get3A_240 = arith.index_cast %get3A_238 : i32 to index
      %get3A_241 = arith.index_cast %select_n3A_171 : i32 to index
      %get3A_242 = arith.index_cast %add3A_228 : i32 to index
      %get3A_243 = tpu.vector_load %arg5[%get3A_239, %get3A_240, %get3A_241, %get3A_242] {strides = array<i32>} : memref<2x2x16x512xf32, #tpu.memory_space<vmem>>, vector<1x1x1x16xf32>,
      %get3A_244 = vector.shape_cast %get3A_243 : vector<1x1x1x16xf32> to vector<16xf32>
      %get3A_245 = arith.constant 0 : i32
      %get3A_246 = arith.index_cast %get3A_245 : i32 to index
      %get3A_247 = arith.index_cast %select_n3A_171 : i32 to index
      %get3A_248 = arith.index_cast %add3A_228 : i32 to index
      %get3A_249 = tpu.vector_load %arg6[%get3A_246, %get3A_247, %get3A_248] {strides = array<i32>} : memref<2x16x512xi32, #tpu.memory_space<vmem>>, vector<1x1x16xi32>,
      %get3A_250 = vector.shape_cast %get3A_249 : vector<1x1x16xi32> to vector<16xi32>
      %sub3A_251 = arith.subf %get3A_244, %get3A_236 : vector<16xf32>
      %exp3A_252 = math.exp %sub3A_251 : vector<16xf32>
      %add3A_253 = arith.constant 1.000000e+00 : f32
      %add3A_254 = vector.broadcast %add3A_253 : f32 to vector<16xf32>
      %add3A_255 = arith.addf %add3A_254, %exp3A_252 : vector<16xf32>
      %div3A_256 = arith.constant 1.000000e+00 : f32
      %div3A_257 = vector.broadcast %div3A_256 : f32 to vector<16xf32>
      %div3A_258 = arith.divf %div3A_257, %add3A_255 : vector<16xf32>
      %sub3A_259 = arith.constant 5.000000e-01 : f32
      %sub3A_260 = vector.broadcast %sub3A_259 : f32 to vector<16xf32>
      %sub3A_261 = arith.subf %div3A_258, %sub3A_260 : vector<16xf32>
      %convert_element_type3A_262 = arith.sitofp %get3A_250 : vector<16xi32> to vector<16xf32>
      %add3A_263 = arith.addf %add3A_223, %sub3A_261 : vector<16xf32>
      %mul3A_264 = arith.mulf %convert_element_type3A_262, %sub3A_261 : vector<16xf32>
      %add3A_265 = arith.addf %add3A_225, %mul3A_264 : vector<16xf32>
      %add3A_266 = arith.addf %add3A_226, %convert_element_type3A_262 : vector<16xf32>
      %add3A_267 = arith.constant 32 : i32
      %add3A_268 = arith.addi %mul3A_189, %add3A_267 : i32
      %get3A_269 = arith.constant 0 : i32
      %get3A_270 = arith.constant 0 : i32
      %get3A_271 = arith.index_cast %get3A_269 : i32 to index
      %get3A_272 = arith.index_cast %get3A_270 : i32 to index
      %get3A_273 = arith.index_cast %select_n3A_171 : i32 to index
      %get3A_274 = arith.index_cast %add3A_268 : i32 to index
      %get3A_275 = tpu.vector_load %arg5[%get3A_271, %get3A_272, %get3A_273, %get3A_274] {strides = array<i32>} : memref<2x2x16x512xf32, #tpu.memory_space<vmem>>, vector<1x1x1x16xf32>,
      %get3A_276 = vector.shape_cast %get3A_275 : vector<1x1x1x16xf32> to vector<16xf32>
      %get3A_277 = arith.constant 0 : i32
      %get3A_278 = arith.constant 1 : i32
      %get3A_279 = arith.index_cast %get3A_277 : i32 to index
      %get3A_280 = arith.index_cast %get3A_278 : i32 to index
      %get3A_281 = arith.index_cast %select_n3A_171 : i32 to index
      %get3A_282 = arith.index_cast %add3A_268 : i32 to index
      %get3A_283 = tpu.vector_load %arg5[%get3A_279, %get3A_280, %get3A_281, %get3A_282] {strides = array<i32>} : memref<2x2x16x512xf32, #tpu.memory_space<vmem>>, vector<1x1x1x16xf32>,
      %get3A_284 = vector.shape_cast %get3A_283 : vector<1x1x1x16xf32> to vector<16xf32>
      %get3A_285 = arith.constant 0 : i32
      %get3A_286 = arith.index_cast %get3A_285 : i32 to index
      %get3A_287 = arith.index_cast %select_n3A_171 : i32 to index
      %get3A_288 = arith.index_cast %add3A_268 : i32 to index
      %get3A_289 = tpu.vector_load %arg6[%get3A_286, %get3A_287, %get3A_288] {strides = array<i32>} : memref<2x16x512xi32, #tpu.memory_space<vmem>>, vector<1x1x16xi32>,
      %get3A_290 = vector.shape_cast %get3A_289 : vector<1x1x16xi32> to vector<16xi32>
      %sub3A_291 = arith.subf %get3A_284, %get3A_276 : vector<16xf32>
      %exp3A_292 = math.exp %sub3A_291 : vector<16xf32>
      %add3A_293 = arith.constant 1.000000e+00 : f32
      %add3A_294 = vector.broadcast %add3A_293 : f32 to vector<16xf32>
      %add3A_295 = arith.addf %add3A_294, %exp3A_292 : vector<16xf32>
      %div3A_296 = arith.constant 1.000000e+00 : f32
      %div3A_297 = vector.broadcast %div3A_296 : f32 to vector<16xf32>
      %div3A_298 = arith.divf %div3A_297, %add3A_295 : vector<16xf32>
      %sub3A_299 = arith.constant 5.000000e-01 : f32
      %sub3A_300 = vector.broadcast %sub3A_299 : f32 to vector<16xf32>
      %sub3A_301 = arith.subf %div3A_298, %sub3A_300 : vector<16xf32>
      %convert_element_type3A_302 = arith.sitofp %get3A_290 : vector<16xi32> to vector<16xf32>
      %add3A_303 = arith.addf %add3A_263, %sub3A_301 : vector<16xf32>
      %mul3A_304 = arith.mulf %convert_element_type3A_302, %sub3A_301 : vector<16xf32>
      %add3A_305 = arith.addf %add3A_265, %mul3A_304 : vector<16xf32>
      %add3A_306 = arith.addf %add3A_266, %convert_element_type3A_302 : vector<16xf32>
      %add3A_307 = arith.constant 48 : i32
      %add3A_308 = arith.addi %mul3A_189, %add3A_307 : i32
      %get3A_309 = arith.constant 0 : i32
      %get3A_310 = arith.constant 0 : i32
      %get3A_311 = arith.index_cast %get3A_309 : i32 to index
      %get3A_312 = arith.index_cast %get3A_310 : i32 to index
      %get3A_313 = arith.index_cast %select_n3A_171 : i32 to index
      %get3A_314 = arith.index_cast %add3A_308 : i32 to index
      %get3A_315 = tpu.vector_load %arg5[%get3A_311, %get3A_312, %get3A_313, %get3A_314] {strides = array<i32>} : memref<2x2x16x512xf32, #tpu.memory_space<vmem>>, vector<1x1x1x16xf32>,
      %get3A_316 = vector.shape_cast %get3A_315 : vector<1x1x1x16xf32> to vector<16xf32>
      %get3A_317 = arith.constant 0 : i32
      %get3A_318 = arith.constant 1 : i32
      %get3A_319 = arith.index_cast %get3A_317 : i32 to index
      %get3A_320 = arith.index_cast %get3A_318 : i32 to index
      %get3A_321 = arith.index_cast %select_n3A_171 : i32 to index
      %get3A_322 = arith.index_cast %add3A_308 : i32 to index
      %get3A_323 = tpu.vector_load %arg5[%get3A_319, %get3A_320, %get3A_321, %get3A_322] {strides = array<i32>} : memref<2x2x16x512xf32, #tpu.memory_space<vmem>>, vector<1x1x1x16xf32>,
      %get3A_324 = vector.shape_cast %get3A_323 : vector<1x1x1x16xf32> to vector<16xf32>
      %get3A_325 = arith.constant 0 : i32
      %get3A_326 = arith.index_cast %get3A_325 : i32 to index
      %get3A_327 = arith.index_cast %select_n3A_171 : i32 to index
      %get3A_328 = arith.index_cast %add3A_308 : i32 to index
      %get3A_329 = tpu.vector_load %arg6[%get3A_326, %get3A_327, %get3A_328] {strides = array<i32>} : memref<2x16x512xi32, #tpu.memory_space<vmem>>, vector<1x1x16xi32>,
      %get3A_330 = vector.shape_cast %get3A_329 : vector<1x1x16xi32> to vector<16xi32>
      %sub3A_331 = arith.subf %get3A_324, %get3A_316 : vector<16xf32>
      %exp3A_332 = math.exp %sub3A_331 : vector<16xf32>
      %add3A_333 = arith.constant 1.000000e+00 : f32
      %add3A_334 = vector.broadcast %add3A_333 : f32 to vector<16xf32>
      %add3A_335 = arith.addf %add3A_334, %exp3A_332 : vector<16xf32>
      %div3A_336 = arith.constant 1.000000e+00 : f32
      %div3A_337 = vector.broadcast %div3A_336 : f32 to vector<16xf32>
      %div3A_338 = arith.divf %div3A_337, %add3A_335 : vector<16xf32>
      %sub3A_339 = arith.constant 5.000000e-01 : f32
      %sub3A_340 = vector.broadcast %sub3A_339 : f32 to vector<16xf32>
      %sub3A_341 = arith.subf %div3A_338, %sub3A_340 : vector<16xf32>
      %convert_element_type3A_342 = arith.sitofp %get3A_330 : vector<16xi32> to vector<16xf32>
      %add3A_343 = arith.addf %add3A_303, %sub3A_341 : vector<16xf32>
      %mul3A_344 = arith.mulf %convert_element_type3A_342, %sub3A_341 : vector<16xf32>
      %add3A_345 = arith.addf %add3A_305, %mul3A_344 : vector<16xf32>
      %add3A_346 = arith.addf %add3A_306, %convert_element_type3A_342 : vector<16xf32>
      %add3A_347 = arith.constant 64 : i32
      %add3A_348 = arith.addi %mul3A_189, %add3A_347 : i32
      %get3A_349 = arith.constant 0 : i32
      %get3A_350 = arith.constant 0 : i32
      %get3A_351 = arith.index_cast %get3A_349 : i32 to index
      %get3A_352 = arith.index_cast %get3A_350 : i32 to index
      %get3A_353 = arith.index_cast %select_n3A_171 : i32 to index
      %get3A_354 = arith.index_cast %add3A_348 : i32 to index
      %get3A_355 = tpu.vector_load %arg5[%get3A_351, %get3A_352, %get3A_353, %get3A_354] {strides = array<i32>} : memref<2x2x16x512xf32, #tpu.memory_space<vmem>>, vector<1x1x1x16xf32>,
      %get3A_356 = vector.shape_cast %get3A_355 : vector<1x1x1x16xf32> to vector<16xf32>
      %get3A_357 = arith.constant 0 : i32
      %get3A_358 = arith.constant 1 : i32
      %get3A_359 = arith.index_cast %get3A_357 : i32 to index
      %get3A_360 = arith.index_cast %get3A_358 : i32 to index
      %get3A_361 = arith.index_cast %select_n3A_171 : i32 to index
      %get3A_362 = arith.index_cast %add3A_348 : i32 to index
      %get3A_363 = tpu.vector_load %arg5[%get3A_359, %get3A_360, %get3A_361, %get3A_362] {strides = array<i32>} : memref<2x2x16x512xf32, #tpu.memory_space<vmem>>, vector<1x1x1x16xf32>,
      %get3A_364 = vector.shape_cast %get3A_363 : vector<1x1x1x16xf32> to vector<16xf32>
      %get3A_365 = arith.constant 0 : i32
      %get3A_366 = arith.index_cast %get3A_365 : i32 to index
      %get3A_367 = arith.index_cast %select_n3A_171 : i32 to index
      %get3A_368 = arith.index_cast %add3A_348 : i32 to index
      %get3A_369 = tpu.vector_load %arg6[%get3A_366, %get3A_367, %get3A_368] {strides = array<i32>} : memref<2x16x512xi32, #tpu.memory_space<vmem>>, vector<1x1x16xi32>,
      %get3A_370 = vector.shape_cast %get3A_369 : vector<1x1x16xi32> to vector<16xi32>
      %sub3A_371 = arith.subf %get3A_364, %get3A_356 : vector<16xf32>
      %exp3A_372 = math.exp %sub3A_371 : vector<16xf32>
      %add3A_373 = arith.constant 1.000000e+00 : f32
      %add3A_374 = vector.broadcast %add3A_373 : f32 to vector<16xf32>
      %add3A_375 = arith.addf %add3A_374, %exp3A_372 : vector<16xf32>
      %div3A_376 = arith.constant 1.000000e+00 : f32
      %div3A_377 = vector.broadcast %div3A_376 : f32 to vector<16xf32>
      %div3A_378 = arith.divf %div3A_377, %add3A_375 : vector<16xf32>
      %sub3A_379 = arith.constant 5.000000e-01 : f32
      %sub3A_380 = vector.broadcast %sub3A_379 : f32 to vector<16xf32>
      %sub3A_381 = arith.subf %div3A_378, %sub3A_380 : vector<16xf32>
      %convert_element_type3A_382 = arith.sitofp %get3A_370 : vector<16xi32> to vector<16xf32>
      %add3A_383 = arith.addf %add3A_343, %sub3A_381 : vector<16xf32>
      %mul3A_384 = arith.mulf %convert_element_type3A_382, %sub3A_381 : vector<16xf32>
      %add3A_385 = arith.addf %add3A_345, %mul3A_384 : vector<16xf32>
      %add3A_386 = arith.addf %add3A_346, %convert_element_type3A_382 : vector<16xf32>
      %add3A_387 = arith.constant 80 : i32
      %add3A_388 = arith.addi %mul3A_189, %add3A_387 : i32
      %get3A_389 = arith.constant 0 : i32
      %get3A_390 = arith.constant 0 : i32
      %get3A_391 = arith.index_cast %get3A_389 : i32 to index
      %get3A_392 = arith.index_cast %get3A_390 : i32 to index
      %get3A_393 = arith.index_cast %select_n3A_171 : i32 to index
      %get3A_394 = arith.index_cast %add3A_388 : i32 to index
      %get3A_395 = tpu.vector_load %arg5[%get3A_391, %get3A_392, %get3A_393, %get3A_394] {strides = array<i32>} : memref<2x2x16x512xf32, #tpu.memory_space<vmem>>, vector<1x1x1x16xf32>,
      %get3A_396 = vector.shape_cast %get3A_395 : vector<1x1x1x16xf32> to vector<16xf32>
      %get3A_397 = arith.constant 0 : i32
      %get3A_398 = arith.constant 1 : i32
      %get3A_399 = arith.index_cast %get3A_397 : i32 to index
      %get3A_400 = arith.index_cast %get3A_398 : i32 to index
      %get3A_401 = arith.index_cast %select_n3A_171 : i32 to index
      %get3A_402 = arith.index_cast %add3A_388 : i32 to index
      %get3A_403 = tpu.vector_load %arg5[%get3A_399, %get3A_400, %get3A_401, %get3A_402] {strides = array<i32>} : memref<2x2x16x512xf32, #tpu.memory_space<vmem>>, vector<1x1x1x16xf32>,
      %get3A_404 = vector.shape_cast %get3A_403 : vector<1x1x1x16xf32> to vector<16xf32>
      %get3A_405 = arith.constant 0 : i32
      %get3A_406 = arith.index_cast %get3A_405 : i32 to index
      %get3A_407 = arith.index_cast %select_n3A_171 : i32 to index
      %get3A_408 = arith.index_cast %add3A_388 : i32 to index
      %get3A_409 = tpu.vector_load %arg6[%get3A_406, %get3A_407, %get3A_408] {strides = array<i32>} : memref<2x16x512xi32, #tpu.memory_space<vmem>>, vector<1x1x16xi32>,
      %get3A_410 = vector.shape_cast %get3A_409 : vector<1x1x16xi32> to vector<16xi32>
      %sub3A_411 = arith.subf %get3A_404, %get3A_396 : vector<16xf32>
      %exp3A_412 = math.exp %sub3A_411 : vector<16xf32>
      %add3A_413 = arith.constant 1.000000e+00 : f32
      %add3A_414 = vector.broadcast %add3A_413 : f32 to vector<16xf32>
      %add3A_415 = arith.addf %add3A_414, %exp3A_412 : vector<16xf32>
      %div3A_416 = arith.constant 1.000000e+00 : f32
      %div3A_417 = vector.broadcast %div3A_416 : f32 to vector<16xf32>
      %div3A_418 = arith.divf %div3A_417, %add3A_415 : vector<16xf32>
      %sub3A_419 = arith.constant 5.000000e-01 : f32
      %sub3A_420 = vector.broadcast %sub3A_419 : f32 to vector<16xf32>
      %sub3A_421 = arith.subf %div3A_418, %sub3A_420 : vector<16xf32>
      %convert_element_type3A_422 = arith.sitofp %get3A_410 : vector<16xi32> to vector<16xf32>
      %add3A_423 = arith.addf %add3A_383, %sub3A_421 : vector<16xf32>
      %mul3A_424 = arith.mulf %convert_element_type3A_422, %sub3A_421 : vector<16xf32>
      %add3A_425 = arith.addf %add3A_385, %mul3A_424 : vector<16xf32>
      %add3A_426 = arith.addf %add3A_386, %convert_element_type3A_422 : vector<16xf32>
      %add3A_427 = arith.constant 96 : i32
      %add3A_428 = arith.addi %mul3A_189, %add3A_427 : i32
      %get3A_429 = arith.constant 0 : i32
      %get3A_430 = arith.constant 0 : i32
      %get3A_431 = arith.index_cast %get3A_429 : i32 to index
      %get3A_432 = arith.index_cast %get3A_430 : i32 to index
      %get3A_433 = arith.index_cast %select_n3A_171 : i32 to index
      %get3A_434 = arith.index_cast %add3A_428 : i32 to index
      %get3A_435 = tpu.vector_load %arg5[%get3A_431, %get3A_432, %get3A_433, %get3A_434] {strides = array<i32>} : memref<2x2x16x512xf32, #tpu.memory_space<vmem>>, vector<1x1x1x16xf32>,
      %get3A_436 = vector.shape_cast %get3A_435 : vector<1x1x1x16xf32> to vector<16xf32>
      %get3A_437 = arith.constant 0 : i32
      %get3A_438 = arith.constant 1 : i32
      %get3A_439 = arith.index_cast %get3A_437 : i32 to index
      %get3A_440 = arith.index_cast %get3A_438 : i32 to index
      %get3A_441 = arith.index_cast %select_n3A_171 : i32 to index
      %get3A_442 = arith.index_cast %add3A_428 : i32 to index
      %get3A_443 = tpu.vector_load %arg5[%get3A_439, %get3A_440, %get3A_441, %get3A_442] {strides = array<i32>} : memref<2x2x16x512xf32, #tpu.memory_space<vmem>>, vector<1x1x1x16xf32>,
      %get3A_444 = vector.shape_cast %get3A_443 : vector<1x1x1x16xf32> to vector<16xf32>
      %get3A_445 = arith.constant 0 : i32
      %get3A_446 = arith.index_cast %get3A_445 : i32 to index
      %get3A_447 = arith.index_cast %select_n3A_171 : i32 to index
      %get3A_448 = arith.index_cast %add3A_428 : i32 to index
      %get3A_449 = tpu.vector_load %arg6[%get3A_446, %get3A_447, %get3A_448] {strides = array<i32>} : memref<2x16x512xi32, #tpu.memory_space<vmem>>, vector<1x1x16xi32>,
      %get3A_450 = vector.shape_cast %get3A_449 : vector<1x1x16xi32> to vector<16xi32>
      %sub3A_451 = arith.subf %get3A_444, %get3A_436 : vector<16xf32>
      %exp3A_452 = math.exp %sub3A_451 : vector<16xf32>
      %add3A_453 = arith.constant 1.000000e+00 : f32
      %add3A_454 = vector.broadcast %add3A_453 : f32 to vector<16xf32>
      %add3A_455 = arith.addf %add3A_454, %exp3A_452 : vector<16xf32>
      %div3A_456 = arith.constant 1.000000e+00 : f32
      %div3A_457 = vector.broadcast %div3A_456 : f32 to vector<16xf32>
      %div3A_458 = arith.divf %div3A_457, %add3A_455 : vector<16xf32>
      %sub3A_459 = arith.constant 5.000000e-01 : f32
      %sub3A_460 = vector.broadcast %sub3A_459 : f32 to vector<16xf32>
      %sub3A_461 = arith.subf %div3A_458, %sub3A_460 : vector<16xf32>
      %convert_element_type3A_462 = arith.sitofp %get3A_450 : vector<16xi32> to vector<16xf32>
      %add3A_463 = arith.addf %add3A_423, %sub3A_461 : vector<16xf32>
      %mul3A_464 = arith.mulf %convert_element_type3A_462, %sub3A_461 : vector<16xf32>
      %add3A_465 = arith.addf %add3A_425, %mul3A_464 : vector<16xf32>
      %add3A_466 = arith.addf %add3A_426, %convert_element_type3A_462 : vector<16xf32>
      %add3A_467 = arith.constant 112 : i32
      %add3A_468 = arith.addi %mul3A_189, %add3A_467 : i32
      %get3A_469 = arith.constant 0 : i32
      %get3A_470 = arith.constant 0 : i32
      %get3A_471 = arith.index_cast %get3A_469 : i32 to index
      %get3A_472 = arith.index_cast %get3A_470 : i32 to index
      %get3A_473 = arith.index_cast %select_n3A_171 : i32 to index
      %get3A_474 = arith.index_cast %add3A_468 : i32 to index
      %get3A_475 = tpu.vector_load %arg5[%get3A_471, %get3A_472, %get3A_473, %get3A_474] {strides = array<i32>} : memref<2x2x16x512xf32, #tpu.memory_space<vmem>>, vector<1x1x1x16xf32>,
      %get3A_476 = vector.shape_cast %get3A_475 : vector<1x1x1x16xf32> to vector<16xf32>
      %get3A_477 = arith.constant 0 : i32
      %get3A_478 = arith.constant 1 : i32
      %get3A_479 = arith.index_cast %get3A_477 : i32 to index
      %get3A_480 = arith.index_cast %get3A_478 : i32 to index
      %get3A_481 = arith.index_cast %select_n3A_171 : i32 to index
      %get3A_482 = arith.index_cast %add3A_468 : i32 to index
      %get3A_483 = tpu.vector_load %arg5[%get3A_479, %get3A_480, %get3A_481, %get3A_482] {strides = array<i32>} : memref<2x2x16x512xf32, #tpu.memory_space<vmem>>, vector<1x1x1x16xf32>,
      %get3A_484 = vector.shape_cast %get3A_483 : vector<1x1x1x16xf32> to vector<16xf32>
      %get3A_485 = arith.constant 0 : i32
      %get3A_486 = arith.index_cast %get3A_485 : i32 to index
      %get3A_487 = arith.index_cast %select_n3A_171 : i32 to index
      %get3A_488 = arith.index_cast %add3A_468 : i32 to index
      %get3A_489 = tpu.vector_load %arg6[%get3A_486, %get3A_487, %get3A_488] {strides = array<i32>} : memref<2x16x512xi32, #tpu.memory_space<vmem>>, vector<1x1x16xi32>,
      %get3A_490 = vector.shape_cast %get3A_489 : vector<1x1x16xi32> to vector<16xi32>
      %sub3A_491 = arith.subf %get3A_484, %get3A_476 : vector<16xf32>
      %exp3A_492 = math.exp %sub3A_491 : vector<16xf32>
      %add3A_493 = arith.constant 1.000000e+00 : f32
      %add3A_494 = vector.broadcast %add3A_493 : f32 to vector<16xf32>
      %add3A_495 = arith.addf %add3A_494, %exp3A_492 : vector<16xf32>
      %div3A_496 = arith.constant 1.000000e+00 : f32
      %div3A_497 = vector.broadcast %div3A_496 : f32 to vector<16xf32>
      %div3A_498 = arith.divf %div3A_497, %add3A_495 : vector<16xf32>
      %sub3A_499 = arith.constant 5.000000e-01 : f32
      %sub3A_500 = vector.broadcast %sub3A_499 : f32 to vector<16xf32>
      %sub3A_501 = arith.subf %div3A_498, %sub3A_500 : vector<16xf32>
      %convert_element_type3A_502 = arith.sitofp %get3A_490 : vector<16xi32> to vector<16xf32>
      %add3A_503 = arith.addf %add3A_463, %sub3A_501 : vector<16xf32>
      %mul3A_504 = arith.mulf %convert_element_type3A_502, %sub3A_501 : vector<16xf32>
      %add3A_505 = arith.addf %add3A_465, %mul3A_504 : vector<16xf32>
      %add3A_506 = arith.addf %add3A_466, %convert_element_type3A_502 : vector<16xf32>
      scf.yield %add3A_503, %add3A_505, %add3A_506 : vector<16xf32>, vector<16xf32>, vector<16xf32>
    }
    %scan3A_118 = arith.constant 64 : i32
    %swap3A = arith.constant 0 : i32
    %swap3A_119 = arith.index_cast %swap3A : i32 to index
    %swap3A_120 = arith.constant 0 : index
    %swap3A_121 = tpu.vector_load %arg7[%swap3A_119, %swap3A_120] {strides = array<i32>} : memref<4x16xf32, #tpu.memory_space<vmem>>, vector<1x16xf32>,
    %swap3A_122 = vector.shape_cast %swap3A_121 : vector<1x16xf32> to vector<16xf32>
    %swap3A_123 = vector.shape_cast %scan3A_117#0 : vector<16xf32> to vector<1x16xf32>
    tpu.vector_store %arg7[%swap3A_119, %swap3A_120], %swap3A_123 {strides = array<i32>} : memref<4x16xf32, #tpu.memory_space<vmem>>, vector<1x16xf32>,
    %swap3A_124 = arith.constant 1 : i32
    %swap3A_125 = arith.index_cast %swap3A_124 : i32 to index
    %swap3A_126 = arith.constant 0 : index
    %swap3A_127 = tpu.vector_load %arg7[%swap3A_125, %swap3A_126] {strides = array<i32>} : memref<4x16xf32, #tpu.memory_space<vmem>>, vector<1x16xf32>,
    %swap3A_128 = vector.shape_cast %swap3A_127 : vector<1x16xf32> to vector<16xf32>
    %swap3A_129 = vector.shape_cast %scan3A_117#1 : vector<16xf32> to vector<1x16xf32>
    tpu.vector_store %arg7[%swap3A_125, %swap3A_126], %swap3A_129 {strides = array<i32>} : memref<4x16xf32, #tpu.memory_space<vmem>>, vector<1x16xf32>,
    %swap3A_130 = arith.constant 2 : i32
    %swap3A_131 = arith.index_cast %swap3A_130 : i32 to index
    %swap3A_132 = arith.constant 0 : index
    %swap3A_133 = tpu.vector_load %arg7[%swap3A_131, %swap3A_132] {strides = array<i32>} : memref<4x16xf32, #tpu.memory_space<vmem>>, vector<1x16xf32>,
    %swap3A_134 = vector.shape_cast %swap3A_133 : vector<1x16xf32> to vector<16xf32>
    %swap3A_135 = vector.shape_cast %scan3A_117#2 : vector<16xf32> to vector<1x16xf32>
    tpu.vector_store %arg7[%swap3A_131, %swap3A_132], %swap3A_135 {strides = array<i32>} : memref<4x16xf32, #tpu.memory_space<vmem>>, vector<1x16xf32>,
    %broadcast_in_dim3A_136 = arith.constant 0.000000e+00 : f32
    %broadcast_in_dim3A_137 = vector.broadcast %broadcast_in_dim3A_136 : f32 to vector<16xf32>
    %swap3A_138 = arith.constant 3 : i32
    %swap3A_139 = arith.index_cast %swap3A_138 : i32 to index
    %swap3A_140 = arith.constant 0 : index
    %swap3A_141 = tpu.vector_load %arg7[%swap3A_139, %swap3A_140] {strides = array<i32>} : memref<4x16xf32, #tpu.memory_space<vmem>>, vector<1x16xf32>,
    %swap3A_142 = vector.shape_cast %swap3A_141 : vector<1x16xf32> to vector<16xf32>
    %swap3A_143 = vector.shape_cast %broadcast_in_dim3A_137 : vector<16xf32> to vector<1x16xf32>
    tpu.vector_store %arg7[%swap3A_139, %swap3A_140], %swap3A_143 {strides = array<i32>} : memref<4x16xf32, #tpu.memory_space<vmem>>, vector<1x16xf32>,
    "tpu.region"() ({
      %run_scoped3A = tpu.sem_alloc : memref<!tpu.dma_semaphore, #tpu.memory_space<semaphore_mem>>
      %dma_start3A_144 = arith.constant 0 : i32
      %dma_start3A_145 = arith.constant 0 : i32
      %dma_start3A_146 = tpu.memref_slice %arg4[%add3A, %dma_start3A_144, %dma_start3A_145] : memref<32x4x16xf32, #tpu.memory_space<hbm>> -> memref<1x4x16xf32, #tpu.memory_space<hbm>>
      %dma_start3A_147 = tpu.memref_squeeze %dma_start3A_146 : memref<1x4x16xf32, #tpu.memory_space<hbm>> -> memref<4x16xf32, #tpu.memory_space<hbm>>
      %dma_start3A_148 = arith.constant 0 : i32
      %dma_start3A_149 = arith.constant 0 : i32
      %dma_start3A_150 = tpu.memref_slice %arg4[%add3A, %dma_start3A_148, %dma_start3A_149] : memref<32x4x16xf32, #tpu.memory_space<hbm>> -> memref<1x4x16xf32, #tpu.memory_space<hbm>>
      %dma_start3A_151 = tpu.memref_squeeze %dma_start3A_150 : memref<1x4x16xf32, #tpu.memory_space<hbm>> -> memref<4x16xf32, #tpu.memory_space<hbm>>
      tpu.enqueue_dma source(%arg7 : memref<4x16xf32, #tpu.memory_space<vmem>>) target(%dma_start3A_151 : memref<4x16xf32, #tpu.memory_space<hbm>>) target_semaphore(%run_scoped3A : memref<!tpu.dma_semaphore, #tpu.memory_space<semaphore_mem>>)
      %dma_wait3A_152 = arith.constant 0 : i32
      %dma_wait3A_153 = arith.constant 0 : i32
      %dma_wait3A_154 = tpu.memref_slice %arg4[%add3A, %dma_wait3A_152, %dma_wait3A_153] : memref<32x4x16xf32, #tpu.memory_space<hbm>> -> memref<1x4x16xf32, #tpu.memory_space<hbm>>
      %dma_wait3A_155 = tpu.memref_squeeze %dma_wait3A_154 : memref<1x4x16xf32, #tpu.memory_space<hbm>> -> memref<4x16xf32, #tpu.memory_space<hbm>>
      %dma_wait3A_156 = arith.constant 0 : i32
      %dma_wait3A_157 = arith.constant 0 : i32
      %dma_wait3A_158 = tpu.memref_slice %arg4[%add3A, %dma_wait3A_156, %dma_wait3A_157] : memref<32x4x16xf32, #tpu.memory_space<hbm>> -> memref<1x4x16xf32, #tpu.memory_space<hbm>>
      %dma_wait3A_159 = tpu.memref_squeeze %dma_wait3A_158 : memref<1x4x16xf32, #tpu.memory_space<hbm>> -> memref<4x16xf32, #tpu.memory_space<hbm>>
      tpu.wait_dma2 semaphore(%run_scoped3A : memref<!tpu.dma_semaphore, #tpu.memory_space<semaphore_mem>>) src(%arg7 : memref<4x16xf32, #tpu.memory_space<vmem>>) dst(%dma_wait3A_159 : memref<4x16xf32, #tpu.memory_space<hbm>>)
      tpu.yield
    }) : () -> ()
    return
  }
}

module attributes {stable_mosaic.version = 14 : i64} {
  func.func @_tc_body(%arg0: i32, %arg1: memref<1x2x512x512xf32, #tpu.memory_space<vmem>>, %arg2: memref<1x512x512xi32, #tpu.memory_space<vmem>>, %arg3: memref<3x8x128xf32, #tpu.memory_space<vmem>>) attributes {dimension_semantics = [#tpu.dimension_semantics<arbitrary>], iteration_bounds = array<i64: 9>, scalar_prefetch = 0 : i64, scratch_operands = 0 : i64, tpu.core_type = #tpu.core_type<tc>, window_params = [{transform_indices = @transform_0, window_bounds = array<i64: 1, 2, 512, 512>}, {transform_indices = @transform_1, window_bounds = array<i64: 1, 512, 512>}, {pipeline_mode = #tpu.pipeline_mode<synchronous>, transform_indices = @transform_2, window_bounds = array<i64: 3, 8, 128>}]} {
    %get3A = arith.constant 0 : index
    %get3A_0 = arith.constant 0 : index
    %get3A_1 = arith.constant 0 : index
    %get3A_2 = arith.constant 0 : index
    %get3A_3 = vector.load %arg1[%get3A, %get3A_0, %get3A_1, %get3A_2] : memref<1x2x512x512xf32, #tpu.memory_space<vmem>>, vector<1x1x512x512xf32>
    %get3A_4 = vector.shape_cast %get3A_3 : vector<1x1x512x512xf32> to vector<512x512xf32>
    %get3A_5 = arith.constant 0 : index
    %get3A_6 = arith.constant 1 : index
    %get3A_7 = arith.constant 0 : index
    %get3A_8 = arith.constant 0 : index
    %get3A_9 = vector.load %arg1[%get3A_5, %get3A_6, %get3A_7, %get3A_8] : memref<1x2x512x512xf32, #tpu.memory_space<vmem>>, vector<1x1x512x512xf32>
    %get3A_10 = vector.shape_cast %get3A_9 : vector<1x1x512x512xf32> to vector<512x512xf32>
    %sub3A = arith.subf %get3A_10, %get3A_4 : vector<512x512xf32>
    %exp3A = math.exp %sub3A : vector<512x512xf32>
    %add3A = arith.constant 1.000000e+00 : f32
    %add3A_11 = vector.broadcast %add3A : f32 to vector<512x512xf32>
    %add3A_12 = arith.addf %add3A_11, %exp3A : vector<512x512xf32>
    %div3A = arith.constant 1.000000e+00 : f32
    %div3A_13 = vector.broadcast %div3A : f32 to vector<512x512xf32>
    %div3A_14 = arith.divf %div3A_13, %add3A_12 : vector<512x512xf32>
    %sub3A_15 = arith.constant 5.000000e-01 : f32
    %sub3A_16 = vector.broadcast %sub3A_15 : f32 to vector<512x512xf32>
    %sub3A_17 = arith.subf %div3A_14, %sub3A_16 : vector<512x512xf32>
    %get3A_18 = arith.constant 0 : index
    %get3A_19 = arith.constant 0 : index
    %get3A_20 = arith.constant 0 : index
    %get3A_21 = vector.load %arg2[%get3A_18, %get3A_19, %get3A_20] : memref<1x512x512xi32, #tpu.memory_space<vmem>>, vector<1x512x512xi32>
    %get3A_22 = vector.shape_cast %get3A_21 : vector<1x512x512xi32> to vector<512x512xi32>
    %convert_element_type3A = arith.sitofp %get3A_22 : vector<512x512xi32> to vector<512x512xf32>
    %reshape3A = vector.shape_cast %sub3A_17 : vector<512x512xf32> to vector<256x8x128xf32>
    %reduce_sum3A = arith.constant dense<0.000000e+00> : vector<8x128xf32>
    %reduce_sum3A_23 = vector.multi_reduction <add>, %reshape3A, %reduce_sum3A [0] : vector<256x8x128xf32> to vector<8x128xf32>
    %mul3A = arith.mulf %convert_element_type3A, %sub3A_17 : vector<512x512xf32>
    %reshape3A_24 = vector.shape_cast %mul3A : vector<512x512xf32> to vector<256x8x128xf32>
    %reduce_sum3A_25 = arith.constant dense<0.000000e+00> : vector<8x128xf32>
    %reduce_sum3A_26 = vector.multi_reduction <add>, %reshape3A_24, %reduce_sum3A_25 [0] : vector<256x8x128xf32> to vector<8x128xf32>
    %reshape3A_27 = vector.shape_cast %convert_element_type3A : vector<512x512xf32> to vector<256x8x128xf32>
    %reduce_sum3A_28 = arith.constant dense<0.000000e+00> : vector<8x128xf32>
    %reduce_sum3A_29 = vector.multi_reduction <add>, %reshape3A_27, %reduce_sum3A_28 [0] : vector<256x8x128xf32> to vector<8x128xf32>
    %stack3A = vector.shape_cast %reduce_sum3A_23 : vector<8x128xf32> to vector<1x8x128xf32>
    %stack3A_30 = vector.shape_cast %reduce_sum3A_26 : vector<8x128xf32> to vector<1x8x128xf32>
    %stack3A_31 = vector.shape_cast %reduce_sum3A_29 : vector<8x128xf32> to vector<1x8x128xf32>
    %stack3A_32 = tpu.concatenate %stack3A, %stack3A_30, %stack3A_31 in 0 : vector<1x8x128xf32>, vector<1x8x128xf32>, vector<1x8x128xf32> -> vector<3x8x128xf32>
    %eq3A = arith.constant 0 : i32
    %eq3A_33 = arith.cmpi eq, %arg0, %eq3A : i32
    %convert_element_type3A_34 = arith.extui %eq3A_33 : i1 to i32
    %cond3A = arith.constant 0 : i32
    %cond3A_35 = arith.cmpi ne, %convert_element_type3A_34, %cond3A : i32
    scf.if %cond3A_35 {
      %broadcast_in_dim3A = arith.constant 0.000000e+00 : f32
      %broadcast_in_dim3A_44 = vector.broadcast %broadcast_in_dim3A : f32 to vector<3x8x128xf32>
      %swap3A_45 = arith.constant 0 : index
      %swap3A_46 = arith.constant 0 : index
      %swap3A_47 = arith.constant 0 : index
      %swap3A_48 = vector.load %arg3[%swap3A_45, %swap3A_46, %swap3A_47] : memref<3x8x128xf32, #tpu.memory_space<vmem>>, vector<3x8x128xf32>
      tpu.vector_store %arg3[%swap3A_45, %swap3A_46, %swap3A_47], %broadcast_in_dim3A_44 {strides = array<i32>} : memref<3x8x128xf32, #tpu.memory_space<vmem>>, vector<3x8x128xf32>,
    } else {
    }
    %get3A_36 = arith.constant 0 : index
    %get3A_37 = arith.constant 0 : index
    %get3A_38 = arith.constant 0 : index
    %get3A_39 = vector.load %arg3[%get3A_36, %get3A_37, %get3A_38] : memref<3x8x128xf32, #tpu.memory_space<vmem>>, vector<3x8x128xf32>
    %add3A_40 = arith.addf %get3A_39, %stack3A_32 : vector<3x8x128xf32>
    %swap3A = arith.constant 0 : index
    %swap3A_41 = arith.constant 0 : index
    %swap3A_42 = arith.constant 0 : index
    %swap3A_43 = vector.load %arg3[%swap3A, %swap3A_41, %swap3A_42] : memref<3x8x128xf32, #tpu.memory_space<vmem>>, vector<3x8x128xf32>
    tpu.vector_store %arg3[%swap3A, %swap3A_41, %swap3A_42], %add3A_40 {strides = array<i32>} : memref<3x8x128xf32, #tpu.memory_space<vmem>>, vector<3x8x128xf32>,
    return
  }
  func.func @transform_0(%arg0: i32) -> (i32, i32, i32, i32) {
    %add3A = arith.constant 7 : i32
    %add3A_0 = arith.addi %arg0, %add3A : i32
    %c0_i32 = arith.constant 0 : i32
    %c0_i32_1 = arith.constant 0 : i32
    %c0_i32_2 = arith.constant 0 : i32
    %c0_i32_3 = arith.constant 0 : i32
    return %add3A_0, %c0_i32, %c0_i32_1, %c0_i32_2 : i32, i32, i32, i32
  }
  func.func @transform_1(%arg0: i32) -> (i32, i32, i32) {
    %add3A = arith.constant 7 : i32
    %add3A_0 = arith.addi %arg0, %add3A : i32
    %c0_i32 = arith.constant 0 : i32
    %c0_i32_1 = arith.constant 0 : i32
    %c0_i32_2 = arith.constant 0 : i32
    return %add3A_0, %c0_i32, %c0_i32_1 : i32, i32, i32
  }
  func.func @transform_2(%arg0: i32) -> (i32, i32, i32) {
    %c0_i32 = arith.constant 0 : i32
    %c0_i32_0 = arith.constant 0 : i32
    %c0_i32_1 = arith.constant 0 : i32
    %c0_i32_2 = arith.constant 0 : i32
    return %c0_i32, %c0_i32_0, %c0_i32_1 : i32, i32, i32
  }
}

</mosaic_0001>

<sc_bundles>
// kernel: kernel.4.cloned.1.call-start
scs
__scs_entry_jumppad:
0x0: {  	(pc) =	sbr.rel $0x88, $3  }
0x1: {  	(tag) =	ssettag $0x0;
	lr =	simm.s32 $0x1  }
0x2: {  	[smem:$0x3F9F] =	sst lr;
	_ =	strace $0xD0000000  }
0x3: {  	_ = 	snop  }
0x4: {  	_ = 	snop  }
0x5: {  	_ = 	snop  }
0x6: {  	_ = 	snop  }
0x7: {  	_ = 	snop  }
__scs_overlays_trampoline_lowered:
0x8: {  	[smem:$0x3FAE] =	sst s0  }
0x9: {  	[smem:$0x3FAF] =	sst s1  }
0xa: {  	[smem:$0x3FB0] =	sst s2  }
0xb: {  	[smem:$0x3FB1] =	sst s3  }
0xc: {  	[smem:$0x3FB2] =	sst s4  }
0xd: {  	[smem:$0x3FB3] =	sst s5  }
0xe: {  	[smem:$0x3FB4] =	sst s6  }
0xf: {  	[smem:$0x3FB5] =	sst s7  }
0x10: {  	[smem:$0x3FB6] =	sst s8  }
0x11: {  	[smem:$0x3FB7] =	sst s9;
	s0 =	simm.s32 @!p0 $0x0  }
0x12: {  	s1 =	sld [smem:$0x3F9D];
	s0 =	simm.s32 @p0 $0x1  }
0x13: {  	[smem:$0x3FB8] =	sst s0;
	s0 =	simm.s32 @!p1 $0x0  }
0x14: {  	s2 =	sld [smem:$0x3F9C];
	s0 =	simm.s32 @p1 $0x1  }
0x15: {  	[smem:$0x3FB9] =	sst s0;
	s0 =	simm.s32 @!p2 $0x0  }
0x16: {  	s3 =	sld [smem:$0x3FDB];
	s0 =	simm.s32 @p2 $0x1  }
0x17: {  	s4 =	simm.s32 $0x1BF5;
	[smem:$0x3FBB] =	sst s0  }
0x18: {  	s0 =	sld [smem:$0x3F9E];
	_ =	swait.ge [sflag:s4], $0x0  }
0x19: {  	s7 =	sld [smem:$0x3F9F]  }
0x1a: {  	s8 =	sadd.s32 $0xFFFFE003, lr  }
0x1b: {  	s9 =	sadd.s32 $0xFFFFFEF7, lr;
	s5 =	simm.s32 $0xFFFFFFFF;
	p2 =	slt.u32 s8, $0xFFFFF086  }
0x1c: {  	p1 =	slt.u32 s9, $0xF7A;
	s5 =	simm.s32 @!p2 $0x0  }
0x1d: {  	s5 =	simm.s32 @p1 $0x1;
	p0 =	seq.s32 s7, s2  }
0x1e: {  	s7 =	smul.u32 @!p0 $0xF7A, s2;
	p2 =	seq.s32 @!p0 s5, $0x0  }
0x1f: {  	s9 =	smul.u32 $0xF7A, s1;
	s8 =	simm.s32 @!p0 $0x1BF5;
	p2 =	por !p2, p0  }
0x20: {  	[sflag:s8] =	ssyncset.s32 @!p0 $0xFFFFF086;
	s6 =	sadd.s32 @!p0 s3, s7;
	s7 =	simm.s32 @!p0 $0x108  }
0x21: {  	s3 =	sadd.s32 s3, s9;
	s6 =	sadd.s32 @!p0 $0x88, s6;
	s7 =	simm.s32 @p2 $0x1082  }
0x22: {  	[simem:s7], [sflag:s8] =	dma.local @!p0 [hbm:s6], $0xF7A  }
0x23: {  	s9 =	sor.u32 $0xD0000000, s2;
	s6 =	simm.s32 $0x108;
	_ =	swait.ge @!p0 [sflag:s8], $0x0  }
0x24: {  	s3 =	sadd.s32 $0x88, s3;
	s6 =	simm.s32 @!p1 $0x1082;
	[sflag:s4] =	ssyncset.s32 $0xFFFFF086  }
0x25: {  	[simem:s6], [sflag:s4] =	dma.local [hbm:s3], $0xF7A  }
0x26: {  	[smem:$0x3F9F] =	sst s1;
	(tag) =	ssettag s2;
	_ =	strace s9  }
0x27: {  	s1 =	sld [smem:$0x3FAF]  }
0x28: {  	s2 =	sld [smem:$0x3FB0]  }
0x29: {  	s4 =	sld [smem:$0x3FB2]  }
0x2a: {  	p0 =	seq.s32 s5, $0x0;
	s5 =	sld [smem:$0x3FB3]  }
0x2b: {  	s6 =	sld [smem:$0x3FB4]  }
0x2c: {  	s7 =	sld [smem:$0x3FB5]  }
0x2d: {  	s3 =	simm.s32 $0x108;
	s8 =	sld [smem:$0x3FB6]  }
0x2e: {  	s3 =	simm.s32 @!p0 $0x1082;
	s9 =	sld [smem:$0x3FB7]  }
0x2f: {  	lr =	sadd.s32 s0, s3;
	s0 =	sld [smem:$0x3FAE]  }
0x30: {  	s3 =	sld [smem:$0x3FB1]  }
0x31: {  	[smem:$0x3FBA] =	sst s10  }
0x32: {  	s10 =	sld [smem:$0x3FB8];
	_ =	sdelay $0x3  }
0x33: {  	p0 =	seq.s32 s10, $0x1;
	s10 =	sld [smem:$0x3FBA];
	_ =	sdelay $0x3  }
0x34: {  	[smem:$0x3FBA] =	sst s10  }
0x35: {  	s10 =	sld [smem:$0x3FB9];
	_ =	sdelay $0x3  }
0x36: {  	p1 =	seq.s32 s10, $0x1;
	s10 =	sld [smem:$0x3FBA];
	_ =	sdelay $0x3  }
0x37: {  	[smem:$0x3FBA] =	sst s10  }
0x38: {  	s10 =	sld [smem:$0x3FBB]  }
0x39: {  	_ = 	snop;
	(pc) =	sbr.ind lr, $3  }
0x3a: {  	_ = 	snop  }
0x3b: {  	_ = 	snop  }
0x3c: {  	p2 =	seq.s32 s10, $0x1;
	s10 =	sld [smem:$0x3FBA]  }
0x3d: {  	_ =	shalt  }
0x3e: {  	_ =	shalt  }
0x3f: {  	_ =	shalt  }
0x40: {  	_ =	shalt  }
0x41: {  	_ =	shalt  }
0x42: {  	_ =	shalt  }
0x43: {  	_ =	shalt  }
0x44: {  	_ =	shalt  }
0x45: {  	_ =	shalt  }
0x46: {  	_ =	shalt  }
0x47: {  	_ =	shalt  }
0x48: {  	_ =	shalt  }
0x49: {  	_ =	shalt  }
0x4a: {  	_ =	shalt  }
0x4b: {  	_ =	shalt  }
0x4c: {  	_ =	shalt  }
0x4d: {  	_ =	shalt  }
0x4e: {  	_ =	shalt  }
0x4f: {  	_ =	shalt  }
0x50: {  	_ =	shalt  }
0x51: {  	_ =	shalt  }
0x52: {  	_ =	shalt  }
0x53: {  	_ =	shalt  }
0x54: {  	_ =	shalt  }
0x55: {  	_ =	shalt  }
0x56: {  	_ =	shalt  }
0x57: {  	_ =	shalt  }
0x58: {  	_ =	shalt  }
0x59: {  	_ =	shalt  }
0x5a: {  	_ =	shalt  }
0x5b: {  	_ =	shalt  }
0x5c: {  	_ =	shalt  }
0x5d: {  	_ =	shalt  }
0x5e: {  	_ =	shalt  }
0x5f: {  	_ =	shalt  }
0x60: {  	_ =	shalt  }
0x61: {  	_ =	shalt  }
0x62: {  	_ =	shalt  }
0x63: {  	_ =	shalt  }
0x64: {  	_ =	shalt  }
0x65: {  	_ =	shalt  }
0x66: {  	_ =	shalt  }
0x67: {  	_ =	shalt  }
0x68: {  	_ =	shalt  }
0x69: {  	_ =	shalt  }
0x6a: {  	_ =	shalt  }
0x6b: {  	_ =	shalt  }
0x6c: {  	_ =	shalt  }
0x6d: {  	_ =	shalt  }
0x6e: {  	_ =	shalt  }
0x6f: {  	_ =	shalt  }
0x70: {  	_ =	shalt  }
0x71: {  	_ =	shalt  }
0x72: {  	_ =	shalt  }
0x73: {  	_ =	shalt  }
0x74: {  	_ =	shalt  }
0x75: {  	_ =	shalt  }
0x76: {  	_ =	shalt  }
0x77: {  	_ =	shalt  }
0x78: {  	_ =	shalt  }
0x79: {  	_ =	shalt  }
0x7a: {  	_ =	shalt  }
0x7b: {  	_ =	shalt  }
0x7c: {  	_ =	shalt  }
0x7d: {  	_ =	shalt  }
0x7e: {  	_ =	shalt  }
0x7f: {  	_ =	shalt  }
0x80: {  	_ =	shalt  }
0x81: {  	_ =	shalt  }
0x82: {  	_ =	shalt  }
0x83: {  	_ =	shalt  }
0x84: {  	_ =	shalt  }
0x85: {  	_ =	shalt  }
0x86: {  	_ =	shalt  }
0x87: {  	_ =	shalt  }
.Lfunc_end0:
.L_simem_size_0:
called_computation_lowered:
.L_overlay_start_0:
0x88: {  	s2 =	sld [smem:$0x3FD9]  }
0x89: {  	s3 =	sld [smem:$0x3FFE];
	_ =	sdelay $0x1  }
0x8a: {  	s1 =	srdreg.scid  }
0x8b: {  	s0 =	sand.u32 $0x1, s1  }
0x8c: {  	s17 =	sshll.u32 s0, $0xA;
	s2 =	sadd.s32 s3, s2  }
0x8d: {  	s2 =	sadd.s32 s2, s17  }
0x8e: {  	[smem:$0x3FC6] =	sst s2  }
0x8f: {  	_ = 	snop  }
0x90: {  	s2 =	sld [smem:$0x3FC9]  }
0x91: {  	s18 =	sld [smem:$0x3FC8];
	(tm) =	ssettm $0x1  }
0x92: {  	s4 =	sld [smem:$0x3FFB];
	_ =	sdelay $0x3  }
0x93: {  	_ =	strace s4  }
0x94: {  	s4 =	sld [smem:$0x3FFC];
	_ =	sdelay $0x3  }
0x95: {  	_ =	strace s4  }
0x96: {  	s4 =	sld [smem:$0x3FFD];
	_ =	sdelay $0x3  }
0x97: {  	_ =	strace s4  }
0x98: {  	_ =	strace $0x8FFFFFFF  }
0x99: {  	s19 =	sld [smem:$0x3FDB];
	_ =	sdelay $0x1  }
0x9a: {  	s5 =	simm.s32 $_scs_section_size  }
0x9b: {  	s6 =	simm.s32 $_size__tile_overlayer_lowered;
	s7 =	simm.s32 $_tile_overlayer_lowered  }
0x9c: {  	s22 =	simm.s32 $0x1BFF;
	s21 =	sshll.u32 s7, $0x1;
	s4 =	sadd.s32 s5, s19  }
0x9d: {  	s8 =	simm.s32 $0x0;
	s20 =	sshll.u32 s6, $0x1;
	s6 =	sadd.s32 s21, s4  }
0x9e: {  	[timem:s8], [sflag:s22] =	dma.local [hbm:s6], s20  }
0x9f: {  	_ =	swait.ge [sflag:s22], s20  }
0xa0: {  	s5 =	ssub.s32 $0x0, s20;
	[sflag:s22] =	ssyncset.done $0x0  }
0xa1: {  	[sflag:s22] =	ssyncadd.s32 s5;
	_ =	sdelay $0x1  }
0xa2: {  	s23 =	simm.s32 $0x1B8B  }
0xa3: {  	_ =	swait.ge [sflag:s23], $0x1  }
0xa4: {  	[sflag:s23] =	ssyncset.done $0x0  }
0xa5: {  	s25 =	simm.s32 $0x1B8E;
	s24 =	sld [smem:$0x3FFE];
	[sflag:s23] =	ssyncadd.s32 $0xFFFFFFFF  }
0xa6: {  	s26 =	simm.s32 $execute0_lowered;
	[smem:$0x3FD2] =	sst s25  }
0xa7: {  	s6 =	sshll.u32 s26, $0x1;
	_ =	strace $0x80000046;
	[dreg:$0x1] =	wrdreg $0xFFFFFFFF  }
0xa8: {  	s28 =	simm.s32 $_size_execute0_lowered;
	s4 =	sadd.s32 s4, s6;
	[dreg:$0x0] =	wrdreg $0x0  }
0xa9: {  	s6 =	sshll.u32 s28, $0x1;
	[dreg:$0x2] =	wrdreg s4  }
0xaa: {  	[dreg:$0x3] =	wrdreg s6  }
0xab: {  	[dreg:$0x4] =	wrdreg $0xC0  }
0xac: {  	_ =	task [dreg:s8], $0x5FFFF  }
0xad: {  	[dreg:$0x1] =	wrdreg $0xFFFFFFFF  }
0xae: {  	[dreg:$0x0] =	wrdreg $0x60  }
0xaf: {  	[dreg:$0x2] =	wrdreg s2  }
0xb0: {  	[dreg:$0x3] =	wrdreg s18  }
0xb1: {  	[dreg:$0x4] =	wrdreg s24  }
0xb2: {  	[dreg:$0x5] =	wrdreg $0x9  }
0xb3: {  	_ =	task.clear_ibuf [dreg:s8], $0x6FFFF;
	_ =	strace $0x90000046  }
0xb4: {  	s29 =	simm.s32 $0x9;
	_ =	strace $0x80000048  }
0xb5: {  	_ =	swait.ge [sflag:s29], $0x1  }
0xb6: {  	[sflag:s29] =	ssyncadd.s32 $0xFFFFFFFF  }
0xb7: {  	_ =	strace $0x90000048  }
0xb8: {  	_ =	sfence  }
0xb9: {  	s30 =	sld [smem:$0x0];
	_ =	sdelay $0x2  }
0xba: {  	s31 =	sshll.u32 s1, $0xD;
	s1 =	sshrl.u32 s1, $0x2  }
0xbb: {  	s3 =	sand.u32 $0x4000, s31;
	s1 =	sadd.s32 s1, s30  }
0xbc: {  	s0 =	sor.u32 s3, s0;
	s1 =	sshll.u32 s1, $0x11  }
0xbd: {  	s0 =	sor.u32 s1, s0  }
0xbe: {  	s0 =	sadd.s32 $0x8F2B, s0  }
0xbf: {  	[sflag:s0] =	ssyncadd.remote.s32 $0x1  }
0xc0: {  	_ =	sfence.sel $0xFFFF  }
0xc1: {  	[dreg:$0x0] =	wrdreg $0xFFFFFFFF;
	(pc) =	sbr.abs _section_cstart, $3  }
0xc2: {  	[dreg:$0x1] =	wrdreg $0xFFFFFFFF  }
0xc3: {  	_ =	task.clear_ibuf [dreg:s8], $0x2FFFF;
	_ =	strace $0x9FFFFFFF  }
0xc4: {  	(tm) =	ssettm $0x7FFFFFFF  }
0xc5: {  	_ =	shalt  }
tec
execute0_lowered:
.L_overlay_start_1:
0x0: {  	(tag) =	ssettag $0x1  }
0x1: {  	s1 =	rddreg [dreg:$0x0];
	s2 =	srdreg.scid  }
0x2: {  	s0 =	stileid.u32;
	s3 =	rddreg [dreg:$0x1]  }
0x3: {  	s9 =	rddreg [dreg:$0x2];
	s4 =	simm.s32 $0x0;
	s13 =	simm.s32 $0x8000  }
0x4: {  	s14 =	simm.s32 $0x1;
	s15 =	simm.s32 $0x2;
	s16 =	simm.s32 $0x4000  }
0x5: {  	s17 =	simm.s32 $0xA000;
	s18 =	simm.s32 $0x3;
	s19 =	simm.s32 $0x4  }
0x6: {  	s20 =	simm.s32 $0xC000;
	s21 =	simm.s32 $0x5;
	s22 =	simm.s32 $0x0  }
0x7: {  	s6 =	sand.u32 $0x1, s2;
	s28 =	sshll.u32 s0, $0x1;
	s2 =	rddreg [dreg:$0x3]  }
0x8: {  	[smem:$0x7FF] =	sst s4;
	s8 =	sor.u32 s6, s28;
	s6 =	ssub.s32 $0x2, s6  }
0x9: {  	_ =	strace $0x80000047;
	s5 =	smul.u32 $0x70, s8;
	s12 =	sshrl.u32 s6, $0x1  }
0xa: {  	s7 =	smul.u32 $0xE000, s8;
	s31 =	sshll.u32 s8, $0x6;
	s29 =	ssub.s32 s6, s12  }
0xb: {  	s9 =	sadd.s32 s9, s31;
	s12 =	simm.s32 $0x40000;
	s10 =	sshrl.u32 s5, $0x9  }
0xc: {  	s7 =	sand.u32 $0x3E000, s7;
	s11 =	sshll.u32 s10, $0x13;
	s10 =	sshll.u32 s10, $0x12  }
0xd: {  	s8 =	sadd.s32 $0x20, s5;
	s11 =	sor.u32 s7, s11;
	s7 =	sor.u32 s7, s10  }
0xe: {  	s10 =	smax.u32 s29, $0x1;
	s30 =	sshrl.u32 s11, $0x3;
	s7 =	sshrl.u32 s7, $0x3  }
0xf: {  	v0 =	vimm.f32 $0.0e+00;
	s11 =	simm.s32 $0x2000;
	s6 =	sadd.s32 s1, s30;
	s7 =	sadd.s32 s3, s7  }
.LBB2_1:
0x10: {  	[tilespmem:s4], [sflag:$0x1] =	stream.strided.gather [hbm4b:s6+s11], $0x4000, s12, s11, $0x38;
	[tilespmem:$0xC200] =	vst v63  }
0x11: {  	s23 =	simm.s32 $0x0  }
0x12: {  	v1 =	vimm.f32 $0.0e+00;
	v2 =	vimm.f32 $0.0e+00;
	v3 =	vimm.f32 $0.0e+00;
	[tilespmem:s13], [sflag:$0x2] =	stream.linear.gather [hbm4b:s7+s4], $0x2000, $0x38;
	[tilespmem:$0xC200] =	vst v63  }
.LBB2_2:
0x13: {  	s24 =	sshll.u32 s23, $0x5  }
0x14: {  	s25 =	sadd.s32 s24, s5  }
0x15: {  	_ =	swait.ge [sflag:s14], $0x4000;
	s25 =	sadd.s32 $0x10, s25  }
0x16: {  	[sflag:s14] =	ssyncset.done $0x0;
	s26 =	sshrl.u32 s25, $0x9;
	s25 =	sshll.u32 s25, $0x9  }
0x17: {  	[sflag:s14] =	ssyncadd.s32 $0xFFFFC000;
	s28 =	sshll.u32 s26, $0x13;
	s25 =	sand.u32 $0x3E000, s25  }
0x18: {  	_ =	swait.ge [sflag:s15], $0x2000;
	s26 =	sshll.u32 s26, $0x12;
	s28 =	sor.u32 s25, s28  }
0x19: {  	[sflag:s15] =	ssyncset.done $0x0;
	s25 =	sor.u32 s25, s26;
	s28 =	sshrl.u32 s28, $0x3  }
0x1a: {  	[sflag:s15] =	ssyncadd.s32 $0xFFFFE000;
	s25 =	sshrl.u32 s25, $0x3;
	s28 =	sadd.s32 s1, s28  }
0x1b: {  	[tilespmem:s16], [sflag:$0x3] =	stream.strided.gather [hbm4b:s28+s11], $0x4000, s12, s11, $0x38;
	[tilespmem:$0xC200] =	vst v63  }
0x1c: {  	s30 =	simm.s32 $0x0;
	s31 =	simm.s32 $0x0;
	s25 =	sadd.s32 s3, s25  }
0x1d: {  	[tilespmem:s17], [sflag:$0x4] =	stream.linear.gather [hbm4b:s25+s30], $0x2000, $0x38;
	[tilespmem:$0xC200] =	vst v63  }
0x1e: {  	s26 =	sand.u32 $0xC00, s30;
	s28 =	simm.s32 $0x0;
	s25 =	sand.u32 $0x1000, s31  }
0x1f: {  	s29 =	sand.u32 $0x380, s28;
	s25 =	sor.u32 s26, s25  }
0x20: {  	s28 =	sor.u32 s29, s25  }
0x21: {  	v4 =	vld [tilespmem:s28+$0x70]  }
0x22: {  	v5 =	vld [tilespmem:s28+$0x2070]  }
0x23: {  	v6 =	vld [tilespmem:s28+$0x60]  }
0x24: {  	v7 =	vld [tilespmem:s28+$0x2060]  }
0x25: {  	v10 =	vld [tilespmem:s28+$0x50]  }
0x26: {  	v11 =	vld [tilespmem:s28+$0x2050]  }
0x27: {  	v12 =	vld [tilespmem:s28+$0x40]  }
0x28: {  	v13 =	vld [tilespmem:s28+$0x2040]  }
0x29: {  	v9 =	vld [tilespmem:s28+$0x30]  }
0x2a: {  	v14 =	vld [tilespmem:s28+$0x2030]  }
0x2b: {  	v8 =	vld [tilespmem:s28+$0x20]  }
0x2c: {  	v15 =	vld [tilespmem:s28+$0x2020]  }
0x2d: {  	v16 =	vld [tilespmem:s28+$0x0]  }
0x2e: {  	v17 =	vld [tilespmem:s28+$0x2000]  }
0x2f: {  	v18 =	vld [tilespmem:s28+$0x10]  }
0x30: {  	v19 =	vld [tilespmem:s28+$0x2010]  }
0x31: {  	v20 =	vld [tilespmem:s28+$0x8070]  }
0x32: {  	v21 =	vld [tilespmem:s28+$0x8060]  }
0x33: {  	s30 =	simm.s32 $0x80;
	s26 =	simm.s32 $0x400;
	v22 =	vld [tilespmem:s28+$0x8050]  }
0x34: {  	s29 =	sand.u32 $0xC00, s26;
	s25 =	sand.u32 $0x1000, s30;
	s30 =	simm.s32 $0x20;
	v23 =	vld [tilespmem:s28+$0x8040]  }
0x35: {  	v24 =	vld [tilespmem:s28+$0x8030];
	s25 =	sor.u32 s29, s25;
	s31 =	sand.u32 $0x380, s30;
	v16 =	vsub.f32 v17, v16  }
0x36: {  	v25 =	vld [tilespmem:s28+$0x8020];
	s25 =	sor.u32 s31, s25  }
0x37: {  	v26 =	vld [tilespmem:s25+$0x70];
	v17 =	vsub.f32 v19, v18;
	v16 =	vmul.f32 $1.442695020e+00, v16  }
0x38: {  	v27 =	vld [tilespmem:s25+$0x2070];
	v15 =	vsub.f32 v15, v8  }
0x39: {  	v28 =	vld [tilespmem:s25+$0x60];
	v17 =	vmul.f32 $1.442695020e+00, v17;
	(erf) = vpow2.f32 v16  }
0x3a: {  	v29 =	vld [tilespmem:s25+$0x2060];
	v14 =	vsub.f32 v14, v9;
	v15 =	vmul.f32 $1.442695020e+00, v15  }
0x3b: {  	v30 =	vld [tilespmem:s25+$0x2050];
	(erf) = vpow2.f32 v17  }
0x3c: {  	v8 =	vld [tilespmem:s28+$0x8010];
	v12 =	vsub.f32 v13, v12;
	v13 =	vmul.f32 $1.442695020e+00, v14;
	(erf) = vpow2.f32 v15  }
0x3d: {  	v9 =	vld [tilespmem:s28+$0x8000]  }
0x3e: {  	v10 =	vsub.f32 v11, v10;
	v18 =	vld [tilespmem:s25+$0x20];
	v12 =	vmul.f32 $1.442695020e+00, v12;
	(erf) = vpow2.f32 v13  }
0x3f: {  	v6 =	vsub.f32 v7, v6;
	v19 =	vld [tilespmem:s25+$0x2020]  }
0x40: {  	v14 =	vld [tilespmem:s25+$0x40];
	v7 =	vmul.f32 $1.442695020e+00, v10;
	(erf) = vpow2.f32 v12  }
0x41: {  	v5 =	vsub.f32 v5, v4;
	v6 =	vmul.f32 $1.442695020e+00, v6;
	v16 =	vld [tilespmem:s25+$0x30]  }
0x42: {  	v17 =	vld [tilespmem:s25+$0x2030];
	v4 =	vpop (erf);
	(erf) = vpow2.f32 v7  }
0x43: {  	v11 =	vmul.f32 $1.442695020e+00, v5;
	v15 =	vld [tilespmem:s25+$0x2040];
	v10 =	vadd.f32 $1.000000000e+00, v4  }
0x44: {  	v5 =	vcvt.s32.f32 v21;
	v13 =	vld [tilespmem:s25+$0x50];
	v7 =	vpop (erf);
	(erf) = vpow2.f32 v6  }
0x45: {  	v4 =	vcvt.s32.f32 v20;
	v20 =	vld [tilespmem:s25+$0x10];
	v12 =	vadd.f32 $1.000000000e+00, v7;
	v6 =	vpop (erf);
	(erf) = vrcp.f32 v10  }
0x46: {  	v7 =	vcvt.s32.f32 v23;
	v23 =	vld [tilespmem:s25+$0x0];
	v21 =	vadd.f32 $1.000000000e+00, v6;
	(erf) = vpow2.f32 v11  }
0x47: {  	v6 =	vcvt.s32.f32 v22;
	v22 =	vld [tilespmem:s25+$0x2010];
	(erf) = vrcp.f32 v12;
	v10 =	vpop (erf)  }
0x48: {  	v31 =	vadd.f32 $1.000000000e+00, v10;
	v10 =	vcvt.s32.f32 v24;
	(erf) = vrcp.f32 v21;
	v24 =	vld [tilespmem:s25+$0x2000]  }
0x49: {  	v13 =	vsub.f32 v30, v13;
	v11 =	vcvt.s32.f32 v25;
	v12 =	vsub.f32 v27, v26;
	v25 =	vpop (erf)  }
0x4a: {  	s28 =	simm.s32 $0x2;
	v21 =	vsub.f32 v29, v28;
	v25 =	vadd.f32 $1.000000000e+00, v25;
	(erf) = vrcp.f32 v31  }
.LBB2_3:
0x4b: {  	p0 =	sne.s32 s28, $0x3F;
	v16 =	vsub.f32 v17, v16;
	v14 =	vsub.f32 v15, v14;
	v15 =	vcvt.s32.f32 v8;
	v8 =	vpop (erf)  }
0x4c: {  	v17 =	vsub.f32 v19, v18;
	v8 =	vadd.f32 $1.000000000e+00, v8;
	(erf) = vrcp.f32 v25  }
0x4d: {  	v19 =	vsub.f32 v22, v20;
	v9 =	vcvt.s32.f32 v9;
	v18 =	vsub.f32 v24, v23;
	v20 =	vpop (erf)  }
0x4e: {  	v21 =	vmul.f32 $1.442695020e+00, v21;
	v20 =	vadd.f32 $1.000000000e+00, v20;
	v22 =	vpop (erf);
	(erf) = vrcp.f32 v8  }
0x4f: {  	v16 =	vmul.f32 $1.442695020e+00, v16;
	v23 =	vmul.f32 $1.442695020e+00, v14;
	v24 =	vld [tilespmem:s25+$0x8070];
	v8 =	vadd.f32 $-5.000000000e-01, v22;
	v14 =	vpop (erf)  }
0x50: {  	v17 =	vmul.f32 $1.442695020e+00, v17;
	v22 =	vld [tilespmem:s25+$0x8060];
	v14 =	vadd.f32 $1.000000000e+00, v14;
	v25 =	vpop (erf);
	(erf) = vrcp.f32 v20  }
0x51: {  	v19 =	vmul.f32 $1.442695020e+00, v19;
	v26 =	vld [tilespmem:s25+$0x8050];
	v20 =	vmul.f32 v9, v8;
	v25 =	vadd.f32 $-5.000000000e-01, v25;
	v27 =	vpop (erf)  }
0x52: {  	v3 =	vadd.f32 v8, v3;
	v28 =	vld [tilespmem:s25+$0x8040];
	v27 =	vadd.f32 $-5.000000000e-01, v27;
	(erf) = vrcp.f32 v14  }
0x53: {  	s29 =	sshll.u32 s28, $0x7;
	s26 =	sadd.s32 $0x400, s26;
	v1 =	vadd.f32 v9, v1;
	v29 =	vld [tilespmem:s25+$0x8030];
	v2 =	vadd.f32 v20, v2;
	v9 =	vmul.f32 v15, v25;
	v8 =	vpop (erf)  }
0x54: {  	s31 =	sshll.u32 s28, $0x5;
	s30 =	sand.u32 $0xC00, s26;
	s29 =	sand.u32 $0x1000, s29;
	v14 =	vmul.f32 $1.442695020e+00, v18;
	v3 =	vadd.f32 v25, v3;
	v30 =	vld [tilespmem:s25+$0x8020];
	v18 =	vadd.f32 $-5.000000000e-01, v8  }
0x55: {  	s29 =	sor.u32 s30, s29;
	s30 =	sand.u32 $0x380, s31;
	v1 =	vadd.f32 v15, v1;
	v31 =	vmul.f32 v11, v27;
	v8 =	vld [tilespmem:s25+$0x8010];
	v2 =	vadd.f32 v9, v2;
	v20 =	vpop (erf)  }
0x56: {  	v3 =	vadd.f32 v27, v3;
	v9 =	vld [tilespmem:s25+$0x8000];
	s25 =	sor.u32 s30, s29;
	(erf) = vpow2.f32 v14;
	v14 =	vadd.f32 $-5.000000000e-01, v20  }
0x57: {  	v1 =	vadd.f32 v11, v1;
	v20 =	vmul.f32 v10, v18;
	v25 =	vld [tilespmem:s25+$0x70];
	v2 =	vadd.f32 v31, v2;
	v15 =	vpop (erf)  }
0x58: {  	v3 =	vadd.f32 v18, v3;
	v27 =	vld [tilespmem:s25+$0x2070];
	(erf) = vpow2.f32 v19;
	v15 =	vadd.f32 $-5.000000000e-01, v15  }
0x59: {  	v1 =	vadd.f32 v10, v1;
	v18 =	vmul.f32 v7, v14;
	v31 =	vld [tilespmem:s25+$0x60];
	v2 =	vadd.f32 v20, v2;
	v11 =	vpop (erf)  }
0x5a: {  	v3 =	vadd.f32 v14, v3;
	v32 =	vld [tilespmem:s25+$0x2060];
	(erf) = vpow2.f32 v17;
	v11 =	vadd.f32 $-5.000000000e-01, v11  }
0x5b: {  	v1 =	vadd.f32 v7, v1;
	v7 =	vmul.f32 v6, v15;
	v33 =	vld [tilespmem:s25+$0x50];
	v2 =	vadd.f32 v18, v2;
	v10 =	vpop (erf)  }
0x5c: {  	v3 =	vadd.f32 v15, v3;
	v34 =	vld [tilespmem:s25+$0x2050];
	(erf) = vpow2.f32 v16;
	v10 =	vadd.f32 $-5.000000000e-01, v10  }
0x5d: {  	v1 =	vadd.f32 v6, v1;
	v6 =	vmul.f32 v5, v11;
	v14 =	vld [tilespmem:s25+$0x40];
	v2 =	vadd.f32 v7, v2  }
0x5e: {  	v13 =	vmul.f32 $1.442695020e+00, v13;
	v3 =	vadd.f32 v11, v3;
	v15 =	vld [tilespmem:s25+$0x2040];
	(erf) = vpow2.f32 v23  }
0x5f: {  	v1 =	vadd.f32 v5, v1;
	v5 =	vmul.f32 v4, v10;
	v16 =	vld [tilespmem:s25+$0x30];
	v11 =	vpop (erf);
	v2 =	vadd.f32 v6, v2  }
0x60: {  	v3 =	vadd.f32 v10, v3;
	v17 =	vld [tilespmem:s25+$0x2030];
	v23 =	vadd.f32 $1.000000000e+00, v11;
	(erf) = vpow2.f32 v13  }
0x61: {  	v1 =	vadd.f32 v4, v1;
	v4 =	vcvt.s32.f32 v24;
	v18 =	vld [tilespmem:s25+$0x20];
	v7 =	vpop (erf);
	v2 =	vadd.f32 v5, v2  }
0x62: {  	v13 =	vmul.f32 $1.442695020e+00, v12;
	v19 =	vld [tilespmem:s25+$0x2020];
	(erf) = vpow2.f32 v21  }
0x63: {  	v5 =	vcvt.s32.f32 v22;
	v11 =	vadd.f32 $1.000000000e+00, v7;
	v20 =	vld [tilespmem:s25+$0x10];
	(erf) = vrcp.f32 v23;
	v6 =	vpop (erf)  }
.Ltmp0:
0x64: {  	v22 =	vld [tilespmem:s25+$0x2010];
	v12 =	vadd.f32 $1.000000000e+00, v6;
	v6 =	vcvt.s32.f32 v26;
	(erf) = vpow2.f32 v13;
	(pc) =	sbr.rel @p0 .LBB2_3-.Ltmp0, $4  }
0x65: {  	v7 =	vcvt.s32.f32 v28;
	v23 =	vld [tilespmem:s25+$0x0];
	(erf) = vrcp.f32 v11;
	v10 =	vpop (erf)  }
0x66: {  	v24 =	vld [tilespmem:s25+$0x2000];
	v26 =	vadd.f32 $1.000000000e+00, v10;
	v10 =	vcvt.s32.f32 v29;
	(erf) = vrcp.f32 v12  }
0x67: {  	v21 =	vsub.f32 v32, v31;
	v11 =	vcvt.s32.f32 v30;
	v12 =	vsub.f32 v27, v25;
	v25 =	vpop (erf)  }
0x68: {  	s28 =	sadd.s32 $0x1, s28;
	v13 =	vsub.f32 v34, v33;
	v25 =	vadd.f32 $1.000000000e+00, v25;
	(erf) = vrcp.f32 v26  }
0x69: {  	_ = 	snop  }
0x6a: {  	v26 =	vpop (erf)  }
0x6b: {  	v27 =	vpop (erf)  }
0x6c: {  	v26 =	vadd.f32 $1.000000000e+00, v26;
	v28 =	vpop (erf)  }
0x6d: {  	(erf) = vrcp.f32 v25;
	v23 =	vsub.f32 v24, v23;
	v24 =	vadd.f32 $1.000000000e+00, v27;
	v25 =	vpop (erf)  }
0x6e: {  	(erf) = vrcp.f32 v26;
	v25 =	vadd.f32 $1.000000000e+00, v25  }
0x6f: {  	v23 =	vmul.f32 $1.442695020e+00, v23;
	(erf) = vrcp.f32 v24  }
0x70: {  	(erf) = vrcp.f32 v25  }
0x71: {  	v20 =	vsub.f32 v22, v20;
	(erf) = vpow2.f32 v23  }
0x72: {  	v18 =	vsub.f32 v19, v18  }
0x73: {  	v22 =	vpop (erf)  }
0x74: {  	v14 =	vsub.f32 v15, v14;
	v19 =	vpop (erf)  }
0x75: {  	v16 =	vsub.f32 v17, v16;
	v17 =	vmul.f32 $1.442695020e+00, v20;
	v20 =	vpop (erf)  }
0x76: {  	v15 =	vmul.f32 $1.442695020e+00, v18;
	v14 =	vmul.f32 $1.442695020e+00, v14;
	v18 =	vpop (erf)  }
0x77: {  	v16 =	vmul.f32 $1.442695020e+00, v16;
	(erf) = vpow2.f32 v17;
	v23 =	vpop (erf)  }
0x78: {  	(erf) = vpow2.f32 v15;
	v24 =	vpop (erf)  }
0x79: {  	v13 =	vmul.f32 $1.442695020e+00, v13;
	(erf) = vpow2.f32 v16;
	v25 =	vpop (erf)  }
0x7a: {  	v15 =	vmul.f32 $1.442695020e+00, v21;
	(erf) = vpow2.f32 v14;
	v14 =	vpop (erf)  }
0x7b: {  	(erf) = vpow2.f32 v13;
	v14 =	vadd.f32 $1.000000000e+00, v14  }
0x7c: {  	v12 =	vmul.f32 $1.442695020e+00, v12;
	(erf) = vpow2.f32 v15  }
0x7d: {  	(erf) = vrcp.f32 v14  }
0x7e: {  	(erf) = vpow2.f32 v12;
	_ =	sdelay $0x1  }
0x7f: {  	v12 =	vpop (erf)  }
0x80: {  	v13 =	vpop (erf)  }
0x81: {  	v12 =	vadd.f32 $1.000000000e+00, v12;
	v14 =	vpop (erf)  }
0x82: {  	v13 =	vadd.f32 $1.000000000e+00, v13;
	v15 =	vpop (erf)  }
0x83: {  	(erf) = vrcp.f32 v12;
	v12 =	vadd.f32 $1.000000000e+00, v14;
	v14 =	vpop (erf)  }
0x84: {  	(erf) = vrcp.f32 v13;
	v13 =	vadd.f32 $1.000000000e+00, v15;
	v15 =	vpop (erf)  }
0x85: {  	(erf) = vrcp.f32 v12;
	v12 =	vadd.f32 $1.000000000e+00, v14;
	v21 =	vpop (erf)  }
0x86: {  	(erf) = vrcp.f32 v13;
	v13 =	vadd.f32 $1.000000000e+00, v15;
	v14 =	vpop (erf)  }
0x87: {  	(erf) = vrcp.f32 v12;
	v12 =	vadd.f32 $1.000000000e+00, v14  }
0x88: {  	(erf) = vrcp.f32 v13  }
0x89: {  	(erf) = vrcp.f32 v12;
	_ =	sdelay $0x2  }
0x8a: {  	v29 =	vld [tilespmem:s25+$0x8040];
	v26 =	vpop (erf)  }
0x8b: {  	v31 =	vld [tilespmem:s25+$0x8030];
	v27 =	vpop (erf)  }
0x8c: {  	v33 =	vld [tilespmem:s25+$0x8020];
	v30 =	vpop (erf)  }
0x8d: {  	v34 =	vld [tilespmem:s25+$0x8010];
	v32 =	vpop (erf)  }
0x8e: {  	v35 =	vld [tilespmem:s25+$0x8000];
	v17 =	vpop (erf)  }
0x8f: {  	v16 =	vld [tilespmem:s25+$0x8060];
	v15 =	vpop (erf)  }
0x90: {  	v14 =	vld [tilespmem:s25+$0x8050];
	v13 =	vpop (erf)  }
0x91: {  	s24 =	sadd.s32 s24, s8;
	s28 =	simm.s32 $0x0;
	v12 =	vld [tilespmem:s25+$0x8070];
	_ =	swait.ge [sflag:s18], $0x4000  }
0x92: {  	s31 =	sshrl.u32 s24, $0x9;
	s24 =	sshll.u32 s24, $0x9;
	[sflag:s18] =	ssyncset.done $0x0  }
0x93: {  	v9 =	vcvt.s32.f32 v9;
	s26 =	sshll.u32 s31, $0x13;
	s24 =	sand.u32 $0x3E000, s24;
	v28 =	vadd.f32 $-5.000000000e-01, v28;
	[sflag:s18] =	ssyncadd.s32 $0xFFFFC000  }
0x94: {  	s26 =	sor.u32 s24, s26;
	s25 =	sshll.u32 s31, $0x12;
	_ =	swait.ge [sflag:s19], $0x2000  }
0x95: {  	v8 =	vcvt.s32.f32 v8;
	s26 =	sshrl.u32 s26, $0x3;
	v36 =	vmul.f32 v9, v28;
	v22 =	vadd.f32 $-5.000000000e-01, v22;
	s24 =	sor.u32 s24, s25;
	[sflag:s19] =	ssyncset.done $0x0  }
0x96: {  	v1 =	vadd.f32 v9, v1;
	s26 =	sadd.s32 s1, s26;
	v3 =	vadd.f32 v28, v3;
	s24 =	sshrl.u32 s24, $0x3;
	[sflag:s19] =	ssyncadd.s32 $0xFFFFE000  }
0x97: {  	v19 =	vadd.f32 $-5.000000000e-01, v19;
	v2 =	vadd.f32 v36, v2;
	v52 =	vmul.f32 v8, v22;
	[tilespmem:s28], [sflag:$0x1] =	stream.strided.gather [hbm4b:s26+s11], $0x4000, s12, s11, $0x38;
	[tilespmem:$0xC200] =	vst v63  }
0x98: {  	v1 =	vadd.f32 v8, v1;
	v3 =	vadd.f32 v22, v3;
	s24 =	sadd.s32 s3, s24;
	s26 =	simm.s32 $0x0  }
0x99: {  	v9 =	vadd.f32 $-5.000000000e-01, v20;
	v20 =	vmul.f32 v11, v19;
	v2 =	vadd.f32 v52, v2;
	[tilespmem:s13], [sflag:$0x2] =	stream.linear.gather [hbm4b:s24+s28], $0x2000, $0x38;
	[tilespmem:$0xC200] =	vst v63  }
0x9a: {  	s29 =	simm.s32 $0x0;
	v1 =	vadd.f32 v11, v1;
	v3 =	vadd.f32 v19, v3;
	s28 =	sand.u32 $0xC00, s28;
	s24 =	sand.u32 $0x1000, s26  }
0x9b: {  	v8 =	vadd.f32 $-5.000000000e-01, v18;
	v2 =	vadd.f32 v20, v2;
	v18 =	vmul.f32 v10, v9;
	s26 =	sand.u32 $0x380, s29;
	s24 =	sor.u32 s28, s24  }
0x9c: {  	v1 =	vadd.f32 v10, v1;
	v3 =	vadd.f32 v9, v3;
	s26 =	sor.u32 s26, s24  }
0x9d: {  	v9 =	vadd.f32 $-5.000000000e-01, v23;
	v2 =	vadd.f32 v18, v2;
	v11 =	vmul.f32 v7, v8;
	v18 =	vld [tilespmem:s26+$0x4070]  }
0x9e: {  	v1 =	vadd.f32 v7, v1;
	v3 =	vadd.f32 v8, v3;
	v8 =	vld [tilespmem:s26+$0x6070]  }
0x9f: {  	v10 =	vadd.f32 $-5.000000000e-01, v24;
	v2 =	vadd.f32 v11, v2;
	v11 =	vmul.f32 v6, v9;
	v19 =	vld [tilespmem:s26+$0x4060]  }
0xa0: {  	v1 =	vadd.f32 v6, v1;
	v3 =	vadd.f32 v9, v3;
	v9 =	vld [tilespmem:s26+$0x6060]  }
0xa1: {  	v7 =	vadd.f32 $-5.000000000e-01, v25;
	v2 =	vadd.f32 v11, v2;
	v11 =	vmul.f32 v5, v10;
	v20 =	vld [tilespmem:s26+$0x4050]  }
0xa2: {  	v1 =	vadd.f32 v5, v1;
	v22 =	vld [tilespmem:s26+$0x6050]  }
0xa3: {  	v3 =	vadd.f32 v10, v3;
	v6 =	vmul.f32 v4, v7;
	v2 =	vadd.f32 v11, v2;
	v10 =	vld [tilespmem:s26+$0x4040]  }
0xa4: {  	v1 =	vadd.f32 v4, v1;
	v5 =	vcvt.s32.f32 v35;
	v11 =	vadd.f32 $-5.000000000e-01, v21;
	v21 =	vld [tilespmem:s26+$0x6040]  }
0xa5: {  	v3 =	vadd.f32 v7, v3;
	v2 =	vadd.f32 v6, v2;
	v6 =	vld [tilespmem:s26+$0x4030]  }
0xa6: {  	v7 =	vcvt.s32.f32 v34;
	v23 =	vmul.f32 v5, v11;
	v24 =	vadd.f32 $-5.000000000e-01, v26;
	v25 =	vld [tilespmem:s26+$0x6030]  }
0xa7: {  	v4 =	vcvt.s32.f32 v33;
	v1 =	vadd.f32 v5, v1;
	v3 =	vadd.f32 v11, v3;
	v11 =	vld [tilespmem:s26+$0x4020]  }
0xa8: {  	v2 =	vadd.f32 v23, v2;
	v26 =	vadd.f32 $-5.000000000e-01, v27;
	v23 =	vmul.f32 v7, v24;
	v27 =	vld [tilespmem:s26+$0x6020]  }
0xa9: {  	v53 =	vcvt.s32.f32 v31;
	v1 =	vadd.f32 v7, v1;
	v3 =	vadd.f32 v24, v3;
	v5 =	vld [tilespmem:s26+$0x4000]  }
0xaa: {  	v24 =	vadd.f32 $-5.000000000e-01, v30;
	v2 =	vadd.f32 v23, v2;
	v23 =	vmul.f32 v4, v26;
	v54 =	vld [tilespmem:s26+$0x6000]  }
0xab: {  	v29 =	vcvt.s32.f32 v29;
	v1 =	vadd.f32 v4, v1;
	v3 =	vadd.f32 v26, v3;
	v7 =	vld [tilespmem:s26+$0x4010]  }
0xac: {  	v26 =	vadd.f32 $-5.000000000e-01, v32;
	v2 =	vadd.f32 v23, v2;
	v23 =	vmul.f32 v53, v24;
	v55 =	vld [tilespmem:s26+$0x6010]  }
0xad: {  	v1 =	vadd.f32 v53, v1;
	v4 =	vld [tilespmem:s26+$0xA070]  }
0xae: {  	s30 =	simm.s32 $0x80;
	s25 =	simm.s32 $0x400;
	v3 =	vadd.f32 v24, v3;
	v2 =	vadd.f32 v23, v2;
	v23 =	vmul.f32 v29, v26;
	v24 =	vld [tilespmem:s26+$0xA060]  }
0xaf: {  	s31 =	sand.u32 $0xC00, s25;
	s29 =	simm.s32 $0x20;
	s24 =	sand.u32 $0x1000, s30;
	v56 =	vld [tilespmem:s26+$0xA050]  }
0xb0: {  	v1 =	vadd.f32 v29, v1;
	v2 =	vadd.f32 v23, v2;
	s29 =	sand.u32 $0x380, s29;
	v23 =	vld [tilespmem:s26+$0xA040];
	s24 =	sor.u32 s31, s24  }
0xb1: {  	v14 =	vcvt.s32.f32 v14;
	v3 =	vadd.f32 v26, v3;
	v26 =	vld [tilespmem:s26+$0xA030];
	s24 =	sor.u32 s29, s24;
	v5 =	vsub.f32 v54, v5  }
0xb2: {  	v17 =	vadd.f32 $-5.000000000e-01, v17;
	v58 =	vld [tilespmem:s24+$0x4070]  }
0xb3: {  	v1 =	vadd.f32 v14, v1;
	v59 =	vld [tilespmem:s24+$0x6070];
	v7 =	vsub.f32 v55, v7;
	v5 =	vmul.f32 $1.442695020e+00, v5  }
0xb4: {  	v16 =	vcvt.s32.f32 v16;
	v60 =	vld [tilespmem:s24+$0x6060];
	v11 =	vsub.f32 v27, v11;
	v10 =	vsub.f32 v21, v10  }
0xb5: {  	v15 =	vadd.f32 $-5.000000000e-01, v15;
	v61 =	vld [tilespmem:s24+$0x4050];
	v57 =	vmul.f32 $1.442695020e+00, v7;
	(erf) = vpow2.f32 v5  }
0xb6: {  	v62 =	vld [tilespmem:s24+$0x6050];
	v11 =	vmul.f32 $1.442695020e+00, v11;
	v10 =	vmul.f32 $1.442695020e+00, v10;
	v5 =	vsub.f32 v25, v6  }
0xb7: {  	v3 =	vadd.f32 v17, v3;
	v27 =	vld [tilespmem:s26+$0xA020];
	v25 =	vmul.f32 v14, v17;
	(erf) = vpow2.f32 v57  }
0xb8: {  	v9 =	vsub.f32 v9, v19;
	v19 =	vld [tilespmem:s24+$0x6020];
	v5 =	vmul.f32 $1.442695020e+00, v5;
	(erf) = vpow2.f32 v11  }
0xb9: {  	v21 =	vld [tilespmem:s24+$0x4010];
	v11 =	vadd.f32 $-5.000000000e-01, v13;
	v2 =	vadd.f32 v25, v2;
	v13 =	vmul.f32 v16, v15  }
0xba: {  	v7 =	vld [tilespmem:s26+$0xA010];
	(erf) = vpow2.f32 v5;
	v5 =	vcvt.s32.f32 v12;
	v12 =	vsub.f32 v22, v20  }
0xbb: {  	v3 =	vadd.f32 v15, v3;
	v6 =	vld [tilespmem:s26+$0xA000];
	v2 =	vadd.f32 v13, v2  }
0xbc: {  	v14 =	vld [tilespmem:s24+$0x4040];
	v13 =	vadd.f32 v16, v1;
	(erf) = vpow2.f32 v10;
	v1 =	vmul.f32 $1.442695020e+00, v12  }
0xbd: {  	v17 =	vld [tilespmem:s24+$0x4030];
	v10 =	vadd.f32 v11, v3;
	v3 =	vsub.f32 v8, v18;
	v8 =	vmul.f32 $1.442695020e+00, v9  }
0xbe: {  	v25 =	vld [tilespmem:s24+$0x4060];
	v16 =	vmul.f32 v5, v11;
	(erf) = vpow2.f32 v1;
	v9 =	vpop (erf)  }
0xbf: {  	v15 =	vld [tilespmem:s24+$0x6040];
	v1 =	vcvt.s32.f32 v4;
	v4 =	vmul.f32 $1.442695020e+00, v3;
	v9 =	vadd.f32 $1.000000000e+00, v9  }
0xc0: {  	v20 =	vld [tilespmem:s24+$0x6030];
	v11 =	vadd.f32 v16, v2;
	(erf) = vpow2.f32 v8;
	v2 =	vpop (erf)  }
0xc1: {  	v22 =	vld [tilespmem:s24+$0x6010];
	v13 =	vadd.f32 v5, v13;
	v8 =	vadd.f32 $1.000000000e+00, v2;
	v3 =	vpop (erf);
	(erf) = vrcp.f32 v9  }
0xc2: {  	v5 =	vcvt.s32.f32 v23;
	v23 =	vld [tilespmem:s24+$0x4000];
	v9 =	vadd.f32 $1.000000000e+00, v3;
	(erf) = vpow2.f32 v4  }
0xc3: {  	v12 =	vcvt.s32.f32 v27;
	v18 =	vsub.f32 v60, v25;
	v16 =	vld [tilespmem:s24+$0x4020];
	v4 =	vpop (erf);
	(erf) = vrcp.f32 v8  }
0xc4: {  	v2 =	vcvt.s32.f32 v24;
	v24 =	vld [tilespmem:s24+$0x6000];
	v63 =	vadd.f32 $1.000000000e+00, v4;
	(erf) = vrcp.f32 v9  }
0xc5: {  	v3 =	vcvt.s32.f32 v56;
	v8 =	vcvt.s32.f32 v26;
	v4 =	vsub.f32 v59, v58;
	v25 =	vpop (erf)  }
0xc6: {  	s26 =	simm.s32 $0x2;
	v9 =	vsub.f32 v62, v61;
	v25 =	vadd.f32 $1.000000000e+00, v25;
	(erf) = vrcp.f32 v63  }
.LBB2_5:
0xc7: {  	p0 =	sne.s32 s26, $0x3F;
	v17 =	vsub.f32 v20, v17;
	v14 =	vsub.f32 v15, v14;
	v15 =	vcvt.s32.f32 v7;
	v7 =	vpop (erf)  }
0xc8: {  	v16 =	vsub.f32 v19, v16;
	v7 =	vadd.f32 $1.000000000e+00, v7;
	(erf) = vrcp.f32 v25  }
0xc9: {  	v20 =	vsub.f32 v22, v21;
	v6 =	vcvt.s32.f32 v6;
	v19 =	vsub.f32 v24, v23;
	v21 =	vpop (erf)  }
0xca: {  	v18 =	vmul.f32 $1.442695020e+00, v18;
	v21 =	vadd.f32 $1.000000000e+00, v21;
	v22 =	vpop (erf);
	(erf) = vrcp.f32 v7  }
0xcb: {  	v17 =	vmul.f32 $1.442695020e+00, v17;
	v23 =	vmul.f32 $1.442695020e+00, v14;
	v24 =	vld [tilespmem:s24+$0xA070];
	v7 =	vadd.f32 $-5.000000000e-01, v22;
	v14 =	vpop (erf)  }
0xcc: {  	v16 =	vmul.f32 $1.442695020e+00, v16;
	v22 =	vld [tilespmem:s24+$0xA060];
	v29 =	vadd.f32 $1.000000000e+00, v14;
	v25 =	vpop (erf);
	(erf) = vrcp.f32 v21  }
0xcd: {  	v20 =	vmul.f32 $1.442695020e+00, v20;
	v26 =	vld [tilespmem:s24+$0xA050];
	v21 =	vmul.f32 v6, v7;
	v25 =	vadd.f32 $-5.000000000e-01, v25;
	v27 =	vpop (erf)  }
0xce: {  	v7 =	vadd.f32 v7, v10;
	v28 =	vld [tilespmem:s24+$0xA040];
	v10 =	vadd.f32 $-5.000000000e-01, v27;
	(erf) = vrcp.f32 v29  }
0xcf: {  	s28 =	sshll.u32 s26, $0x7;
	s25 =	sadd.s32 $0x400, s25;
	v6 =	vadd.f32 v6, v13;
	v27 =	vld [tilespmem:s24+$0xA030];
	v11 =	vadd.f32 v21, v11;
	v13 =	vmul.f32 v15, v25;
	v14 =	vpop (erf)  }
0xd0: {  	s30 =	sshll.u32 s26, $0x5;
	s29 =	sand.u32 $0xC00, s25;
	s28 =	sand.u32 $0x1000, s28;
	v19 =	vmul.f32 $1.442695020e+00, v19;
	v21 =	vadd.f32 v25, v7;
	v29 =	vld [tilespmem:s24+$0xA020];
	v14 =	vadd.f32 $-5.000000000e-01, v14  }
0xd1: {  	s30 =	sand.u32 $0x380, s30;
	s28 =	sor.u32 s29, s28;
	v30 =	vmul.f32 v12, v10;
	v7 =	vld [tilespmem:s24+$0xA010];
	v11 =	vadd.f32 v13, v11;
	v13 =	vadd.f32 v15, v6;
	v25 =	vpop (erf)  }
0xd2: {  	v10 =	vadd.f32 v10, v21;
	v6 =	vld [tilespmem:s24+$0xA000];
	s24 =	sor.u32 s30, s28;
	(erf) = vpow2.f32 v19;
	v19 =	vadd.f32 $-5.000000000e-01, v25  }
0xd3: {  	v21 =	vmul.f32 v8, v14;
	v25 =	vld [tilespmem:s24+$0x4070];
	v11 =	vadd.f32 v30, v11;
	v12 =	vadd.f32 v12, v13;
	v15 =	vpop (erf)  }
0xd4: {  	v10 =	vadd.f32 v14, v10;
	v30 =	vld [tilespmem:s24+$0x6070];
	(erf) = vpow2.f32 v20;
	v14 =	vadd.f32 $-5.000000000e-01, v15  }
0xd5: {  	v15 =	vmul.f32 v5, v19;
	v31 =	vld [tilespmem:s24+$0x4060];
	v11 =	vadd.f32 v21, v11;
	v8 =	vadd.f32 v8, v12;
	v13 =	vpop (erf)  }
0xd6: {  	v10 =	vadd.f32 v19, v10;
	v32 =	vld [tilespmem:s24+$0x6060];
	(erf) = vpow2.f32 v16;
	v13 =	vadd.f32 $-5.000000000e-01, v13  }
0xd7: {  	v33 =	vld [tilespmem:s24+$0x4050];
	v11 =	vadd.f32 v15, v11;
	v5 =	vadd.f32 v5, v8;
	v8 =	vmul.f32 v3, v14;
	v12 =	vpop (erf)  }
0xd8: {  	v10 =	vadd.f32 v14, v10;
	v34 =	vld [tilespmem:s24+$0x6050];
	(erf) = vpow2.f32 v17;
	v12 =	vadd.f32 $-5.000000000e-01, v12  }
0xd9: {  	v14 =	vld [tilespmem:s24+$0x4040];
	v8 =	vadd.f32 v8, v11;
	v3 =	vadd.f32 v3, v5;
	v5 =	vmul.f32 v2, v13  }
0xda: {  	v19 =	vmul.f32 $1.442695020e+00, v9;
	v10 =	vadd.f32 v13, v10;
	v15 =	vld [tilespmem:s24+$0x6040];
	(erf) = vpow2.f32 v23  }
0xdb: {  	v17 =	vld [tilespmem:s24+$0x4030];
	v11 =	vpop (erf);
	v5 =	vadd.f32 v5, v8;
	v2 =	vadd.f32 v2, v3;
	v3 =	vmul.f32 v1, v12  }
0xdc: {  	v10 =	vadd.f32 v12, v10;
	v20 =	vld [tilespmem:s24+$0x6030];
	v8 =	vadd.f32 $1.000000000e+00, v11;
	(erf) = vpow2.f32 v19  }
0xdd: {  	v16 =	vld [tilespmem:s24+$0x4020];
	v9 =	vpop (erf);
	v11 =	vadd.f32 v3, v5;
	v13 =	vadd.f32 v1, v2;
	v1 =	vcvt.s32.f32 v24  }
0xde: {  	v24 =	vmul.f32 $1.442695020e+00, v4;
	v19 =	vld [tilespmem:s24+$0x6020];
	(erf) = vpow2.f32 v18  }
0xdf: {  	v2 =	vcvt.s32.f32 v22;
	v9 =	vadd.f32 $1.000000000e+00, v9;
	v21 =	vld [tilespmem:s24+$0x4010];
	(erf) = vrcp.f32 v8;
	v3 =	vpop (erf)  }
.Ltmp1:
0xe0: {  	v22 =	vld [tilespmem:s24+$0x6010];
	v12 =	vadd.f32 $1.000000000e+00, v3;
	v3 =	vcvt.s32.f32 v26;
	(erf) = vpow2.f32 v24;
	(pc) =	sbr.rel @p0 .LBB2_5-.Ltmp1, $4  }
0xe1: {  	v5 =	vcvt.s32.f32 v28;
	v23 =	vld [tilespmem:s24+$0x4000];
	(erf) = vrcp.f32 v9;
	v4 =	vpop (erf)  }
0xe2: {  	v8 =	vcvt.s32.f32 v27;
	v24 =	vld [tilespmem:s24+$0x6000];
	v26 =	vadd.f32 $1.000000000e+00, v4;
	(erf) = vrcp.f32 v12  }
0xe3: {  	v18 =	vsub.f32 v32, v31;
	v4 =	vsub.f32 v30, v25;
	v12 =	vcvt.s32.f32 v29;
	v25 =	vpop (erf)  }
0xe4: {  	s26 =	sadd.s32 $0x1, s26;
	v9 =	vsub.f32 v34, v33;
	v25 =	vadd.f32 $1.000000000e+00, v25;
	(erf) = vrcp.f32 v26  }
0xe5: {  	_ = 	snop  }
0xe6: {  	v26 =	vpop (erf)  }
0xe7: {  	v17 =	vsub.f32 v20, v17;
	v14 =	vsub.f32 v15, v14;
	v7 =	vcvt.s32.f32 v7;
	v51 =	vpop (erf)  }
0xe8: {  	v21 =	vsub.f32 v22, v21;
	v6 =	vcvt.s32.f32 v6;
	v52 =	vadd.f32 $1.000000000e+00, v26;
	v53 =	vpop (erf)  }
0xe9: {  	(erf) = vrcp.f32 v25;
	v23 =	vsub.f32 v24, v23;
	v15 =	vadd.f32 $1.000000000e+00, v51;
	v54 =	vpop (erf)  }
0xea: {  	v27 =	vmul.f32 $1.442695020e+00, v18;
	(erf) = vrcp.f32 v52;
	v55 =	vadd.f32 $1.000000000e+00, v54  }
0xeb: {  	v16 =	vsub.f32 v19, v16;
	v57 =	vmul.f32 $1.442695020e+00, v23;
	(erf) = vrcp.f32 v15  }
0xec: {  	v17 =	vmul.f32 $1.442695020e+00, v17;
	v56 =	vadd.f32 $-5.000000000e-01, v53;
	v58 =	vpop (erf);
	(erf) = vrcp.f32 v55  }
0xed: {  	v21 =	vmul.f32 $1.442695020e+00, v21;
	v60 =	vpop (erf);
	(erf) = vpow2.f32 v57  }
0xee: {  	v61 =	vmul.f32 $1.442695020e+00, v16;
	v59 =	vmul.f32 v6, v56;
	v19 =	vadd.f32 $-5.000000000e-01, v58  }
0xef: {  	v10 =	vadd.f32 v56, v10;
	v6 =	vadd.f32 v6, v13;
	(erf) = vpow2.f32 v21  }
0xf0: {  	v14 =	vmul.f32 $1.442695020e+00, v14;
	v62 =	vadd.f32 $-5.000000000e-01, v60;
	v11 =	vadd.f32 v59, v11  }
0xf1: {  	v63 =	vmul.f32 v7, v19;
	v10 =	vadd.f32 v19, v10;
	v21 =	vpop (erf);
	(erf) = vpow2.f32 v61  }
0xf2: {  	v6 =	vadd.f32 v7, v6;
	v22 =	vmul.f32 v12, v62;
	v23 =	vpop (erf);
	(erf) = vpow2.f32 v17  }
0xf3: {  	v13 =	vadd.f32 $-5.000000000e-01, v21;
	v11 =	vadd.f32 v63, v11;
	v25 =	vpop (erf);
	(erf) = vpow2.f32 v14  }
0xf4: {  	v4 =	vmul.f32 $1.442695020e+00, v4;
	v10 =	vadd.f32 v62, v10;
	v6 =	vadd.f32 v12, v6;
	v26 =	vpop (erf)  }
0xf5: {  	v9 =	vmul.f32 $1.442695020e+00, v9;
	v15 =	vadd.f32 $-5.000000000e-01, v23;
	v7 =	vadd.f32 v22, v11;
	v28 =	vpop (erf)  }
0xf6: {  	v24 =	vmul.f32 v8, v13;
	v10 =	vadd.f32 v13, v10;
	v6 =	vadd.f32 v8, v6;
	v30 =	vpop (erf)  }
0xf7: {  	v29 =	vadd.f32 $-5.000000000e-01, v25;
	(erf) = vpow2.f32 v9;
	v32 =	vadd.f32 $1.000000000e+00, v30  }
0xf8: {  	v31 =	vmul.f32 v5, v15;
	v7 =	vadd.f32 v24, v7;
	v33 =	vpop (erf);
	(erf) = vpow2.f32 v27  }
0xf9: {  	v10 =	vadd.f32 v15, v10;
	v34 =	vadd.f32 $1.000000000e+00, v33;
	(erf) = vrcp.f32 v32  }
0xfa: {  	v11 =	vadd.f32 $-5.000000000e-01, v26;
	v7 =	vadd.f32 v31, v7;
	v35 =	vpop (erf);
	(erf) = vpow2.f32 v4  }
0xfb: {  	v45 =	vld [tilespmem:s24+$0xA010];
	v36 =	vadd.f32 $1.000000000e+00, v35;
	v37 =	vpop (erf);
	v4 =	vadd.f32 v5, v6;
	(erf) = vrcp.f32 v34  }
0xfc: {  	v38 =	vadd.f32 v29, v10;
	v5 =	vmul.f32 v3, v29;
	v6 =	vadd.f32 $1.000000000e+00, v37;
	v41 =	vpop (erf)  }
0xfd: {  	v42 =	vld [tilespmem:s24+$0xA000];
	(erf) = vrcp.f32 v36;
	v3 =	vadd.f32 v3, v4;
	v4 =	vadd.f32 $1.000000000e+00, v41  }
0xfe: {  	v43 =	vld [tilespmem:s24+$0xA020];
	v39 =	vadd.f32 $-5.000000000e-01, v28;
	v40 =	vmul.f32 v2, v11  }
0xff: {  	v9 =	vadd.f32 v11, v38;
	v5 =	vadd.f32 v5, v7;
	(erf) = vrcp.f32 v6  }
0x100: {  	v10 =	vcvt.s32.f32 v45;
	v46 =	vmul.f32 v1, v39;
	v2 =	vadd.f32 v2, v3;
	v44 =	vpop (erf)  }
0x101: {  	v48 =	vld [tilespmem:s24+$0xA030];
	v5 =	vadd.f32 v40, v5;
	v3 =	vadd.f32 v39, v9;
	(erf) = vrcp.f32 v4;
	v4 =	vpop (erf)  }
0x102: {  	v7 =	vadd.f32 $1.000000000e+00, v44;
	v1 =	vadd.f32 v1, v2;
	v2 =	vcvt.s32.f32 v42;
	v47 =	vpop (erf)  }
0x103: {  	v6 =	vcvt.s32.f32 v43;
	v4 =	vadd.f32 $1.000000000e+00, v4;
	v8 =	vadd.f32 $-5.000000000e-01, v47;
	v49 =	vpop (erf)  }
0x104: {  	v5 =	vadd.f32 v46, v5;
	(erf) = vrcp.f32 v7;
	v1 =	vadd.f32 v2, v1;
	v50 =	vpop (erf)  }
0x105: {  	(erf) = vrcp.f32 v4;
	v4 =	vld [tilespmem:s24+$0xA040];
	v12 =	vmul.f32 v2, v8;
	v11 =	vadd.f32 $-5.000000000e-01, v50  }
0x106: {  	v7 =	vcvt.s32.f32 v48;
	v9 =	vadd.f32 $1.000000000e+00, v49;
	v51 =	vpop (erf);
	v3 =	vadd.f32 v8, v3  }
0x107: {  	v52 =	vadd.f32 $-5.000000000e-01, v51;
	v5 =	vadd.f32 v12, v5;
	v2 =	vmul.f32 v10, v11  }
0x108: {  	v1 =	vadd.f32 v10, v1;
	(erf) = vrcp.f32 v9;
	v54 =	vpop (erf);
	v3 =	vadd.f32 v11, v3  }
0x109: {  	v53 =	vld [tilespmem:s24+$0xA050];
	v55 =	vadd.f32 $-5.000000000e-01, v54;
	v2 =	vadd.f32 v2, v5;
	v5 =	vmul.f32 v6, v52  }
0x10a: {  	v56 =	vld [tilespmem:s24+$0xA060];
	v1 =	vadd.f32 v6, v1;
	v57 =	vpop (erf);
	v4 =	vcvt.s32.f32 v4;
	v3 =	vadd.f32 v52, v3  }
0x10b: {  	v58 =	vadd.f32 $-5.000000000e-01, v57;
	v2 =	vadd.f32 v5, v2;
	v5 =	vmul.f32 v7, v55  }
0x10c: {  	v59 =	vld [tilespmem:s24+$0xA070];
	v1 =	vadd.f32 v7, v1  }
0x10d: {  	v60 =	vpop (erf);
	v3 =	vadd.f32 v55, v3;
	v2 =	vadd.f32 v5, v2;
	v5 =	vmul.f32 v4, v58  }
0x10e: {  	v9 =	vcvt.s32.f32 v53;
	v6 =	vadd.f32 $-5.000000000e-01, v60  }
0x10f: {  	v62 =	vcvt.s32.f32 v56;
	v1 =	vadd.f32 v4, v1;
	v61 =	vpop (erf);
	v3 =	vadd.f32 v58, v3  }
0x110: {  	s23 =	sadd.s32 $0x1, s23;
	v7 =	vadd.f32 $-5.000000000e-01, v61;
	v4 =	vmul.f32 v9, v6;
	v2 =	vadd.f32 v5, v2  }
0x111: {  	p0 =	sne.s32 s23, $0x3;
	v63 =	vcvt.s32.f32 v59;
	v1 =	vadd.f32 v9, v1;
	v3 =	vadd.f32 v6, v3;
	v5 =	vpop (erf)  }
.Ltmp2:
0x112: {  	v2 =	vadd.f32 v4, v2;
	v4 =	vmul.f32 v62, v7;
	v5 =	vadd.f32 $-5.000000000e-01, v5;
	(pc) =	sbr.rel @p0 .LBB2_2-.Ltmp2, $4  }
0x113: {  	v1 =	vadd.f32 v62, v1  }
0x114: {  	v3 =	vadd.f32 v7, v3;
	v2 =	vadd.f32 v4, v2;
	v4 =	vmul.f32 v63, v5  }
0x115: {  	v1 =	vadd.f32 v63, v1  }
0x116: {  	v3 =	vadd.f32 v5, v3;
	v2 =	vadd.f32 v4, v2  }
0x117: {  	_ =	swait.ge [sflag:s14], $0x4000  }
0x118: {  	s23 =	simm.s32 $0x0;
	[sflag:s14] =	ssyncset.done $0x0  }
0x119: {  	s24 =	simm.s32 $0x0;
	s25 =	simm.s32 $0x0;
	[sflag:s14] =	ssyncadd.s32 $0xFFFFC000  }
0x11a: {  	s23 =	sand.u32 $0xC00, s23;
	s24 =	sand.u32 $0x1000, s24;
	_ =	swait.ge [sflag:s15], $0x2000  }
0x11b: {  	s29 =	sand.u32 $0x380, s25;
	s23 =	sor.u32 s23, s24;
	[sflag:s15] =	ssyncset.done $0x0  }
0x11c: {  	s25 =	sor.u32 s29, s23;
	[sflag:s15] =	ssyncadd.s32 $0xFFFFE000  }
0x11d: {  	v4 =	vld [tilespmem:s25+$0x70]  }
0x11e: {  	v5 =	vld [tilespmem:s25+$0x2070]  }
0x11f: {  	v6 =	vld [tilespmem:s25+$0x60]  }
0x120: {  	v7 =	vld [tilespmem:s25+$0x2060]  }
0x121: {  	v8 =	vld [tilespmem:s25+$0x50]  }
0x122: {  	v11 =	vld [tilespmem:s25+$0x2050]  }
0x123: {  	v12 =	vld [tilespmem:s25+$0x40]  }
0x124: {  	v13 =	vld [tilespmem:s25+$0x2040]  }
0x125: {  	v9 =	vld [tilespmem:s25+$0x30]  }
0x126: {  	v14 =	vld [tilespmem:s25+$0x2030]  }
0x127: {  	v10 =	vld [tilespmem:s25+$0x20]  }
0x128: {  	v15 =	vld [tilespmem:s25+$0x2020]  }
0x129: {  	v16 =	vld [tilespmem:s25+$0x0]  }
0x12a: {  	v17 =	vld [tilespmem:s25+$0x2000]  }
0x12b: {  	v18 =	vld [tilespmem:s25+$0x10]  }
0x12c: {  	v19 =	vld [tilespmem:s25+$0x2010]  }
0x12d: {  	v20 =	vld [tilespmem:s25+$0x8070]  }
0x12e: {  	s30 =	simm.s32 $0x80;
	s24 =	simm.s32 $0x400;
	v21 =	vld [tilespmem:s25+$0x8060]  }
0x12f: {  	s28 =	simm.s32 $0x20;
	s26 =	sand.u32 $0xC00, s24;
	s23 =	sand.u32 $0x1000, s30;
	v22 =	vld [tilespmem:s25+$0x8040]  }
0x130: {  	s31 =	sand.u32 $0x380, s28;
	s23 =	sor.u32 s26, s23;
	v23 =	vld [tilespmem:s25+$0x8030];
	v16 =	vsub.f32 v17, v16  }
0x131: {  	s23 =	sor.u32 s31, s23;
	v24 =	vld [tilespmem:s25+$0x8020];
	v18 =	vsub.f32 v19, v18  }
0x132: {  	v25 =	vld [tilespmem:s23+$0x70];
	v16 =	vmul.f32 $1.442695020e+00, v16  }
0x133: {  	v26 =	vld [tilespmem:s23+$0x2070];
	v18 =	vmul.f32 $1.442695020e+00, v18  }
0x134: {  	v27 =	vld [tilespmem:s23+$0x60];
	v15 =	vsub.f32 v15, v10;
	(erf) = vpow2.f32 v16  }
0x135: {  	v28 =	vld [tilespmem:s23+$0x2060];
	(erf) = vpow2.f32 v18  }
0x136: {  	v29 =	vld [tilespmem:s23+$0x2050];
	v14 =	vsub.f32 v14, v9;
	v15 =	vmul.f32 $1.442695020e+00, v15  }
0x137: {  	v17 =	vld [tilespmem:s25+$0x8050];
	v12 =	vsub.f32 v13, v12  }
0x138: {  	v10 =	vld [tilespmem:s25+$0x8010];
	v8 =	vsub.f32 v11, v8;
	v13 =	vmul.f32 $1.442695020e+00, v14;
	(erf) = vpow2.f32 v15  }
0x139: {  	v9 =	vld [tilespmem:s25+$0x8000];
	v12 =	vmul.f32 $1.442695020e+00, v12  }
0x13a: {  	v11 =	vld [tilespmem:s23+$0x50];
	v6 =	vsub.f32 v7, v6;
	v7 =	vmul.f32 $1.442695020e+00, v8;
	(erf) = vpow2.f32 v13  }
0x13b: {  	v19 =	vld [tilespmem:s23+$0x20]  }
0x13c: {  	v14 =	vld [tilespmem:s23+$0x40];
	(erf) = vpow2.f32 v12  }
0x13d: {  	v5 =	vsub.f32 v5, v4;
	v6 =	vmul.f32 $1.442695020e+00, v6;
	v16 =	vld [tilespmem:s23+$0x30];
	v4 =	vpop (erf)  }
0x13e: {  	v18 =	vld [tilespmem:s23+$0x2030];
	(erf) = vpow2.f32 v7;
	v7 =	vpop (erf)  }
0x13f: {  	v15 =	vld [tilespmem:s23+$0x2040];
	v12 =	vmul.f32 $1.442695020e+00, v5;
	v8 =	vadd.f32 $1.000000000e+00, v4;
	v7 =	vadd.f32 $1.000000000e+00, v7  }
0x140: {  	v5 =	vcvt.s32.f32 v21;
	v21 =	vld [tilespmem:s23+$0x2020];
	(erf) = vpow2.f32 v6  }
0x141: {  	v4 =	vcvt.s32.f32 v20;
	v20 =	vld [tilespmem:s23+$0x10];
	v6 =	vpop (erf);
	(erf) = vrcp.f32 v8  }
0x142: {  	v13 =	vadd.f32 $1.000000000e+00, v6;
	v8 =	vcvt.s32.f32 v22;
	v22 =	vld [tilespmem:s23+$0x2010];
	(erf) = vpow2.f32 v12  }
0x143: {  	v12 =	vcvt.s32.f32 v23;
	v23 =	vld [tilespmem:s23+$0x0];
	(erf) = vrcp.f32 v7;
	v7 =	vpop (erf)  }
0x144: {  	(erf) = vrcp.f32 v13;
	v13 =	vcvt.s32.f32 v24;
	v24 =	vld [tilespmem:s23+$0x2000];
	v30 =	vadd.f32 $1.000000000e+00, v7  }
0x145: {  	v11 =	vsub.f32 v29, v11;
	v6 =	vcvt.s32.f32 v17;
	v7 =	vsub.f32 v26, v25;
	v25 =	vpop (erf)  }
0x146: {  	s25 =	simm.s32 $0x2;
	v17 =	vsub.f32 v28, v27;
	v25 =	vadd.f32 $1.000000000e+00, v25;
	(erf) = vrcp.f32 v30  }
.LBB2_8:
0x147: {  	p0 =	sne.s32 s25, $0x3F;
	v16 =	vsub.f32 v18, v16;
	v14 =	vsub.f32 v15, v14;
	v15 =	vcvt.s32.f32 v10;
	v10 =	vpop (erf)  }
0x148: {  	v18 =	vsub.f32 v21, v19;
	v10 =	vadd.f32 $1.000000000e+00, v10;
	(erf) = vrcp.f32 v25  }
0x149: {  	v20 =	vsub.f32 v22, v20;
	v9 =	vcvt.s32.f32 v9;
	v19 =	vsub.f32 v24, v23;
	v21 =	vpop (erf)  }
0x14a: {  	v17 =	vmul.f32 $1.442695020e+00, v17;
	v21 =	vadd.f32 $1.000000000e+00, v21;
	v22 =	vpop (erf);
	(erf) = vrcp.f32 v10  }
0x14b: {  	v16 =	vmul.f32 $1.442695020e+00, v16;
	v23 =	vmul.f32 $1.442695020e+00, v14;
	v24 =	vld [tilespmem:s23+$0x8070];
	v10 =	vadd.f32 $-5.000000000e-01, v22;
	v14 =	vpop (erf)  }
0x14c: {  	v18 =	vmul.f32 $1.442695020e+00, v18;
	v22 =	vld [tilespmem:s23+$0x8060];
	v14 =	vadd.f32 $1.000000000e+00, v14;
	v25 =	vpop (erf);
	(erf) = vrcp.f32 v21  }
0x14d: {  	v20 =	vmul.f32 $1.442695020e+00, v20;
	v26 =	vld [tilespmem:s23+$0x8050];
	v21 =	vmul.f32 v9, v10;
	v25 =	vadd.f32 $-5.000000000e-01, v25;
	v27 =	vpop (erf)  }
0x14e: {  	v3 =	vadd.f32 v10, v3;
	v28 =	vld [tilespmem:s23+$0x8040];
	v27 =	vadd.f32 $-5.000000000e-01, v27;
	(erf) = vrcp.f32 v14  }
0x14f: {  	s26 =	sshll.u32 s25, $0x7;
	s24 =	sadd.s32 $0x400, s24;
	v1 =	vadd.f32 v9, v1;
	v29 =	vld [tilespmem:s23+$0x8030];
	v2 =	vadd.f32 v21, v2;
	v9 =	vmul.f32 v15, v25;
	v10 =	vpop (erf)  }
0x150: {  	s29 =	sshll.u32 s25, $0x5;
	s28 =	sand.u32 $0xC00, s24;
	s26 =	sand.u32 $0x1000, s26;
	v14 =	vmul.f32 $1.442695020e+00, v19;
	v3 =	vadd.f32 v25, v3;
	v30 =	vld [tilespmem:s23+$0x8020];
	v19 =	vadd.f32 $-5.000000000e-01, v10  }
0x151: {  	s26 =	sor.u32 s28, s26;
	s28 =	sand.u32 $0x380, s29;
	v1 =	vadd.f32 v15, v1;
	v31 =	vmul.f32 v13, v27;
	v10 =	vld [tilespmem:s23+$0x8010];
	v2 =	vadd.f32 v9, v2;
	v21 =	vpop (erf)  }
0x152: {  	v3 =	vadd.f32 v27, v3;
	v9 =	vld [tilespmem:s23+$0x8000];
	s23 =	sor.u32 s28, s26;
	(erf) = vpow2.f32 v14;
	v14 =	vadd.f32 $-5.000000000e-01, v21  }
0x153: {  	v1 =	vadd.f32 v13, v1;
	v21 =	vmul.f32 v12, v19;
	v25 =	vld [tilespmem:s23+$0x70];
	v2 =	vadd.f32 v31, v2;
	v15 =	vpop (erf)  }
0x154: {  	v3 =	vadd.f32 v19, v3;
	v27 =	vld [tilespmem:s23+$0x2070];
	(erf) = vpow2.f32 v20;
	v15 =	vadd.f32 $-5.000000000e-01, v15  }
0x155: {  	v1 =	vadd.f32 v12, v1;
	v19 =	vmul.f32 v8, v14;
	v31 =	vld [tilespmem:s23+$0x60];
	v2 =	vadd.f32 v21, v2;
	v13 =	vpop (erf)  }
0x156: {  	v3 =	vadd.f32 v14, v3;
	v32 =	vld [tilespmem:s23+$0x2060];
	(erf) = vpow2.f32 v18;
	v13 =	vadd.f32 $-5.000000000e-01, v13  }
0x157: {  	v1 =	vadd.f32 v8, v1;
	v8 =	vmul.f32 v6, v15;
	v33 =	vld [tilespmem:s23+$0x50];
	v2 =	vadd.f32 v19, v2;
	v12 =	vpop (erf)  }
0x158: {  	v3 =	vadd.f32 v15, v3;
	v34 =	vld [tilespmem:s23+$0x2050];
	(erf) = vpow2.f32 v16;
	v12 =	vadd.f32 $-5.000000000e-01, v12  }
0x159: {  	v1 =	vadd.f32 v6, v1;
	v6 =	vmul.f32 v5, v13;
	v14 =	vld [tilespmem:s23+$0x40];
	v2 =	vadd.f32 v8, v2  }
0x15a: {  	v20 =	vmul.f32 $1.442695020e+00, v11;
	v3 =	vadd.f32 v13, v3;
	v15 =	vld [tilespmem:s23+$0x2040];
	(erf) = vpow2.f32 v23  }
0x15b: {  	v1 =	vadd.f32 v5, v1;
	v5 =	vmul.f32 v4, v12;
	v16 =	vld [tilespmem:s23+$0x30];
	v11 =	vpop (erf);
	v2 =	vadd.f32 v6, v2  }
0x15c: {  	v3 =	vadd.f32 v12, v3;
	v18 =	vld [tilespmem:s23+$0x2030];
	v13 =	vadd.f32 $1.000000000e+00, v11;
	(erf) = vpow2.f32 v20  }
0x15d: {  	v1 =	vadd.f32 v4, v1;
	v4 =	vcvt.s32.f32 v24;
	v19 =	vld [tilespmem:s23+$0x20];
	v8 =	vpop (erf);
	v2 =	vadd.f32 v5, v2  }
0x15e: {  	v12 =	vmul.f32 $1.442695020e+00, v7;
	v21 =	vld [tilespmem:s23+$0x2020];
	(erf) = vpow2.f32 v17  }
0x15f: {  	v5 =	vcvt.s32.f32 v22;
	v11 =	vadd.f32 $1.000000000e+00, v8;
	v20 =	vld [tilespmem:s23+$0x10];
	(erf) = vrcp.f32 v13;
	v6 =	vpop (erf)  }
.Ltmp3:
0x160: {  	v22 =	vld [tilespmem:s23+$0x2010];
	v13 =	vadd.f32 $1.000000000e+00, v6;
	v6 =	vcvt.s32.f32 v26;
	(erf) = vpow2.f32 v12;
	(pc) =	sbr.rel @p0 .LBB2_8-.Ltmp3, $4  }
0x161: {  	v8 =	vcvt.s32.f32 v28;
	v23 =	vld [tilespmem:s23+$0x0];
	(erf) = vrcp.f32 v11;
	v7 =	vpop (erf)  }
0x162: {  	v12 =	vcvt.s32.f32 v29;
	v24 =	vld [tilespmem:s23+$0x2000];
	v26 =	vadd.f32 $1.000000000e+00, v7;
	(erf) = vrcp.f32 v13  }
0x163: {  	v17 =	vsub.f32 v32, v31;
	v7 =	vsub.f32 v27, v25;
	v13 =	vcvt.s32.f32 v30;
	v25 =	vpop (erf)  }
0x164: {  	s25 =	sadd.s32 $0x1, s25;
	v11 =	vsub.f32 v34, v33;
	v25 =	vadd.f32 $1.000000000e+00, v25;
	(erf) = vrcp.f32 v26  }
0x165: {  	_ = 	snop  }
0x166: {  	v26 =	vpop (erf)  }
0x167: {  	v16 =	vsub.f32 v18, v16;
	v10 =	vcvt.s32.f32 v10;
	v38 =	vpop (erf)  }
0x168: {  	v9 =	vcvt.s32.f32 v9;
	v20 =	vsub.f32 v22, v20;
	v39 =	vadd.f32 $1.000000000e+00, v26;
	v40 =	vpop (erf)  }
0x169: {  	(erf) = vrcp.f32 v25;
	v23 =	vsub.f32 v24, v23;
	v18 =	vadd.f32 $1.000000000e+00, v38;
	v41 =	vpop (erf)  }
0x16a: {  	v59 =	vmul.f32 $1.442695020e+00, v17;
	(erf) = vrcp.f32 v39;
	v42 =	vadd.f32 $1.000000000e+00, v41  }
0x16b: {  	v19 =	vsub.f32 v21, v19;
	v43 =	vmul.f32 $1.442695020e+00, v23;
	(erf) = vrcp.f32 v18  }
0x16c: {  	v14 =	vsub.f32 v15, v14;
	v20 =	vmul.f32 $1.442695020e+00, v20;
	(erf) = vrcp.f32 v42  }
0x16d: {  	v46 =	vmul.f32 $1.442695020e+00, v19;
	v1 =	vadd.f32 v9, v1;
	v19 =	vld [tilespmem:s23+$0x8000];
	v45 =	vpop (erf);
	(erf) = vpow2.f32 v43  }
0x16e: {  	v7 =	vmul.f32 $1.442695020e+00, v7;
	v11 =	vmul.f32 $1.442695020e+00, v11;
	v44 =	vadd.f32 $-5.000000000e-01, v40  }
0x16f: {  	v16 =	vmul.f32 $1.442695020e+00, v16;
	v1 =	vadd.f32 v10, v1;
	v48 =	vpop (erf);
	(erf) = vpow2.f32 v20  }
0x170: {  	v47 =	vmul.f32 v9, v44;
	v15 =	vadd.f32 $-5.000000000e-01, v45;
	(erf) = vpow2.f32 v46  }
0x171: {  	v14 =	vmul.f32 $1.442695020e+00, v14;
	v3 =	vadd.f32 v44, v3;
	v1 =	vadd.f32 v13, v1;
	v50 =	vpop (erf)  }
0x172: {  	v21 =	vadd.f32 $-5.000000000e-01, v48;
	v31 =	vcvt.s32.f32 v19;
	v2 =	vadd.f32 v47, v2;
	v53 =	vpop (erf)  }
0x173: {  	v49 =	vmul.f32 v10, v15;
	v3 =	vadd.f32 v15, v3;
	(erf) = vpow2.f32 v16;
	v54 =	vpop (erf)  }
0x174: {  	v1 =	vadd.f32 v12, v1;
	v51 =	vadd.f32 $-5.000000000e-01, v50;
	v52 =	vmul.f32 v13, v21;
	v57 =	vpop (erf)  }
0x175: {  	v2 =	vadd.f32 v49, v2;
	v3 =	vadd.f32 v21, v3;
	(erf) = vpow2.f32 v14;
	v58 =	vpop (erf)  }
0x176: {  	v1 =	vadd.f32 v8, v1;
	v55 =	vadd.f32 $-5.000000000e-01, v53;
	v56 =	vmul.f32 v12, v51;
	v61 =	vpop (erf)  }
0x177: {  	v2 =	vadd.f32 v52, v2;
	(erf) = vpow2.f32 v11;
	v10 =	vadd.f32 $1.000000000e+00, v61  }
0x178: {  	v24 =	vld [tilespmem:s23+$0x8010];
	v3 =	vadd.f32 v51, v3;
	v1 =	vadd.f32 v6, v1;
	v62 =	vpop (erf);
	(erf) = vpow2.f32 v59  }
0x179: {  	v60 =	vadd.f32 $-5.000000000e-01, v54;
	v11 =	vadd.f32 $1.000000000e+00, v62;
	v15 =	vpop (erf);
	(erf) = vrcp.f32 v10  }
0x17a: {  	v63 =	vmul.f32 v8, v55;
	v10 =	vadd.f32 $1.000000000e+00, v15;
	(erf) = vpow2.f32 v7  }
0x17b: {  	v2 =	vadd.f32 v56, v2;
	v3 =	vadd.f32 v55, v3;
	(erf) = vrcp.f32 v11  }
0x17c: {  	v1 =	vadd.f32 v5, v1;
	v16 =	vadd.f32 $-5.000000000e-01, v57;
	v18 =	vpop (erf);
	(erf) = vrcp.f32 v10  }
0x17d: {  	v36 =	vcvt.s32.f32 v24;
	v2 =	vadd.f32 v63, v2;
	v20 =	vadd.f32 $1.000000000e+00, v18  }
0x17e: {  	v17 =	vmul.f32 v6, v60;
	v3 =	vadd.f32 v60, v3;
	v1 =	vadd.f32 v4, v1;
	v23 =	vpop (erf)  }
0x17f: {  	v21 =	vadd.f32 $-5.000000000e-01, v58;
	v25 =	vadd.f32 $1.000000000e+00, v23;
	(erf) = vrcp.f32 v20  }
0x180: {  	v22 =	vmul.f32 v5, v16;
	v2 =	vadd.f32 v17, v2;
	v3 =	vadd.f32 v16, v3;
	v27 =	vpop (erf)  }
0x181: {  	v28 =	vld [tilespmem:s23+$0x8020];
	v1 =	vadd.f32 v31, v1;
	(erf) = vrcp.f32 v25;
	v29 =	vadd.f32 $1.000000000e+00, v27;
	v30 =	vpop (erf)  }
0x182: {  	v26 =	vmul.f32 v4, v21;
	v2 =	vadd.f32 v22, v2;
	v6 =	vadd.f32 $1.000000000e+00, v30;
	v32 =	vpop (erf)  }
0x183: {  	v33 =	vld [tilespmem:s23+$0x8030];
	v3 =	vadd.f32 v21, v3;
	(erf) = vrcp.f32 v29;
	v34 =	vadd.f32 $-5.000000000e-01, v32;
	v35 =	vpop (erf)  }
0x184: {  	v1 =	vadd.f32 v36, v1;
	v2 =	vadd.f32 v26, v2;
	(erf) = vrcp.f32 v6;
	v37 =	vpop (erf)  }
0x185: {  	v38 =	vld [tilespmem:s23+$0x8040];
	v8 =	vadd.f32 $1.000000000e+00, v35;
	v39 =	vmul.f32 v31, v34;
	v11 =	vadd.f32 $-5.000000000e-01, v37;
	v40 =	vpop (erf)  }
0x186: {  	v9 =	vcvt.s32.f32 v28;
	v3 =	vadd.f32 v34, v3;
	v41 =	vadd.f32 $-5.000000000e-01, v40  }
0x187: {  	v42 =	vld [tilespmem:s23+$0x8050];
	(erf) = vrcp.f32 v8;
	v2 =	vadd.f32 v39, v2;
	v43 =	vmul.f32 v36, v11  }
0x188: {  	v44 =	vcvt.s32.f32 v33;
	v1 =	vadd.f32 v9, v1;
	v45 =	vpop (erf);
	v3 =	vadd.f32 v11, v3  }
0x189: {  	v46 =	vld [tilespmem:s23+$0x8060];
	v7 =	vadd.f32 $-5.000000000e-01, v45;
	v47 =	vmul.f32 v9, v41;
	v2 =	vadd.f32 v43, v2  }
0x18a: {  	v48 =	vcvt.s32.f32 v38;
	v1 =	vadd.f32 v44, v1;
	v49 =	vpop (erf);
	v3 =	vadd.f32 v41, v3  }
0x18b: {  	v50 =	vld [tilespmem:s23+$0x8070];
	v4 =	vadd.f32 $-5.000000000e-01, v49;
	v51 =	vmul.f32 v44, v7;
	v2 =	vadd.f32 v47, v2  }
0x18c: {  	v52 =	vcvt.s32.f32 v42;
	v1 =	vadd.f32 v48, v1;
	v53 =	vpop (erf);
	v3 =	vadd.f32 v7, v3  }
0x18d: {  	v55 =	vmul.f32 v48, v4;
	v54 =	vadd.f32 $-5.000000000e-01, v53;
	v2 =	vadd.f32 v51, v2  }
0x18e: {  	v56 =	vcvt.s32.f32 v46;
	v1 =	vadd.f32 v52, v1;
	v57 =	vpop (erf);
	v3 =	vadd.f32 v4, v3  }
0x18f: {  	v58 =	vadd.f32 $-5.000000000e-01, v57;
	v59 =	vmul.f32 v52, v54;
	v2 =	vadd.f32 v55, v2  }
0x190: {  	v5 =	vcvt.s32.f32 v50;
	v1 =	vadd.f32 v56, v1;
	v60 =	vpop (erf);
	v3 =	vadd.f32 v54, v3  }
0x191: {  	v62 =	vmul.f32 v56, v58;
	v61 =	vadd.f32 $-5.000000000e-01, v60;
	v2 =	vadd.f32 v59, v2  }
0x192: {  	v3 =	vadd.f32 v58, v3  }
0x193: {  	v1 =	vadd.f32 v5, v1;
	v63 =	vmul.f32 v5, v61;
	v2 =	vadd.f32 v62, v2  }
0x194: {  	[tilespmem:$0xC180] =	vst v0;
	v3 =	vadd.f32 v61, v3  }
0x195: {  	s22 =	sadd.s32 $0x1, s22;
	[tilespmem:$0xC100] =	vst v1;
	v2 =	vadd.f32 v63, v2  }
0x196: {  	p0 =	sne.s32 s22, s10;
	[tilespmem:$0xC000] =	vst v3  }
.Ltmp4:
0x197: {  	[tilespmem:$0xC080] =	vst v2;
	(pc) =	sbr.rel @p0 .LBB2_1-.Ltmp4, $4  }
0x198: {  	[hbm4b:s9+s4] =	stream.linear.scatter [tilespmem:s20], [sflag:$0x5], $0x200, $0x38;
	[tilespmem:$0xC200] =	vst v63  }
0x199: {  	_ =	swait.ge [sflag:s21], $0x200  }
0x19a: {  	[sflag:s21] =	ssyncset.done $0x0  }
0x19b: {  	[sflag:s21] =	ssyncadd.s32 $0xFFFFFE00  }
0x19c: {  	_ =	sfence.sel $0x180000  }
0x19d: {  	[bflag:$0x0] =	sbarrier.arrive $0xFFFF  }
0x19e: {  	p0 =	sne.s32 s0, $0x0;
	_ =	strace $0x90000047  }
0x19f: {  	s0 =	sadd.s32 @!p0 $0x100000, s2;
	[bflag:$0x2] =	sbarrier.arrive $0xFFFF  }
0x1a0: {  	[sflag:s0] =	ssyncadd.tile.s32 @!p0 $0x1;
	_ =	shalt  }
.Lfunc_end2:
_tile_overlayer_lowered:
.L_overlay_start_2:
0x1a1: {  	(tag) =	ssettag $0x2  }
0x1a2: {  	s0 =	rddreg [dreg:$0x0];
	s2 =	stileid.u32  }
0x1a3: {  	s1 =	rddreg [dreg:$0x1];
	p0 =	sne.s32 s2, $0x0  }
0x1a4: {  	s3 =	rddreg [dreg:$0x2];
	[bflag:$0x3] =	sbarrier.arrive $0xFFFF;
	s2 =	simm.s32 @!p0 $0x1C05  }
0x1a5: {  	[timem:s3], [sflag:s2] =	dma.local @!p0 [hbm:s0], s1  }
0x1a6: {  	s0 =	simm.s32 @!p0 $0x5  }
0x1a7: {  	_ =	swait.ge @!p0 [sflag:s0], s1  }
0x1a8: {  	s1 =	ssub.s32 @!p0 $0x0, s1;
	[sflag:s0] =	ssyncset.done @!p0 $0x0  }
0x1a9: {  	[sflag:s0] =	ssyncadd.s32 @!p0 s1  }
0x1aa: {  	[bflag:$0x3] =	sbarrier.arrive $0xFFFF  }
0x1ab: {  	_ =	shalt  }

</sc_bundles>
